<compile_context>
chip_gen: v7x
topology: tpu7x:2x2x1
jax: 0.10.2.dev20260603
libtpu: 0.0.44.dev20260713+nightly
codegen_flags: <defaults>
</compile_context>

<pallas_src>
import functools

import jax
import jax.numpy as jnp
from jax import lax
from jax.experimental import pallas as pl
from jax.experimental.pallas import tpu as pltpu
from jax.experimental.pallas import tpu_sc as plsc

NC = 2
NS = 16
NW = NC * NS
L = 16
CW = 8
RW = 128
RB = 10


def _lse_body(table_ref, lse_ref):
    t = table_ref[...]
    m = jnp.max(t, axis=1)
    lse_ref[...] = m + jnp.log(jnp.sum(jnp.exp(t - m[:, None]), axis=1))


def _fin_body(part_ref, loss_ref, *, n_rows):
    loss_ref[...] = (jnp.sum(part_ref[...]) / n_rows).reshape(1, 1)


def _make_gather_kernel(n_rows, v):
    cg = v // CW
    rg = n_rows // RW
    nb_per_c = rg // RB
    mesh = plsc.VectorSubcoreMesh(core_axis_name="c", subcore_axis_name="s")

    @functools.partial(
        pl.kernel,
        mesh=mesh,
        compiler_params=pltpu.CompilerParams(
            use_tc_tiling_on_sc=False, needs_layout_passes=False),
        out_type=jax.ShapeDtypeStruct((cg, rg, CW, RW), jnp.float32),
        scratch_types=[
            pltpu.VMEM((n_rows,), jnp.int32),
            pltpu.VMEM((v + 8,), jnp.int32),
            pltpu.VMEM((v + 8,), jnp.int32),
            pltpu.VMEM((v + 8, CW), jnp.float32),
            pltpu.VMEM((2, RB, CW, RW), jnp.float32),
            pltpu.SemaphoreType.DMA,
            pltpu.SemaphoreType.DMA,
        ],
    )
    def gather_kernel(tab8_hbm, idx_hbm, iota_hbm, out_hbm,
                      idx_v, iota_v, gidx_v, trows_v, stg_v, sem_o, sem_s):
        wid = lax.axis_index("s") * NC + lax.axis_index("c")
        cp0 = pltpu.async_copy(iota_hbm, iota_v, sem_s)
        cp1 = pltpu.async_copy(idx_hbm, idx_v, sem_s)
        cp0.wait()
        cp1.wait()

        c0 = (cg * wid) // NW
        c1 = (cg * (wid + 1)) // NW

        def cg_body(c, carry0):
            @plsc.parallel_loop(0, (v + 8) // L, unroll=4)
            def _gl(m):
                gidx_v[pl.ds(m * L, L)] = iota_v[pl.ds(m * L, L)] * cg + c
            pltpu.sync_copy(tab8_hbm.at[gidx_v], trows_v)

            def batch_body(rb, carry):
                b = lax.rem(rb, 2)

                @plsc.parallel_loop(0, RB * (RW // L), unroll=8)
                def _fill(u):
                    rl = u // (RW // L)
                    g = lax.rem(u, RW // L)
                    r = rb * RB + rl
                    i16 = idx_v[pl.ds(r * RW + g * L, L)]
                    for cv in range(CW):
                        cv16 = jnp.full((L,), cv, jnp.int32)
                        stg_v[b, rl, cv, pl.ds(g * L, L)] = plsc.load_gather(
                            trows_v, [i16, cv16])
                dst = out_hbm.at[c, pl.ds(rb * RB, RB)]

                @pl.when((c > c0) | (rb > 0))
                def _():
                    pltpu.make_async_copy(stg_v.at[b], dst, sem_o).wait()

                pltpu.async_copy(stg_v.at[b], dst, sem_o)
                return carry

            lax.fori_loop(0, nb_per_c, batch_body, 0)
            return carry0

        lax.fori_loop(c0, c1, cg_body, 0)
        pltpu.make_async_copy(
            stg_v.at[1], out_hbm.at[c0, pl.ds(0, RB)], sem_o).wait()

    return gather_kernel


def _make_loss_kernel(n_rows, v):
    cg = v // CW
    npw = n_rows // NW
    mesh = plsc.VectorSubcoreMesh(core_axis_name="c", subcore_axis_name="s")

    @functools.partial(
        pl.kernel,
        mesh=mesh,
        compiler_params=pltpu.CompilerParams(
            use_tc_tiling_on_sc=False, needs_layout_passes=False),
        out_type=jax.ShapeDtypeStruct((NW, L), jnp.float32),
        scratch_types=[
            pltpu.VMEM((npw,), jnp.int32),
            pltpu.VMEM((npw,), jnp.int32),
            pltpu.VMEM((npw,), jnp.int32),
            pltpu.VMEM((npw,), jnp.int32),
            pltpu.VMEM((npw, CW), jnp.float32),
            pltpu.VMEM((v,), jnp.float32),
            pltpu.VMEM((L,), jnp.float32),
            pltpu.SemaphoreType.DMA,
        ],
    )
    def loss_kernel(tab8_hbm, idx_hbm, tgt_hbm, lse_hbm, iota_hbm, gate_hbm,
                    part_hbm,
                    idxw_v, tgtw_v, iota_v, gq_v, vals_v, lse_v, acc_v, sem):
        del gate_hbm
        wid = lax.axis_index("s") * NC + lax.axis_index("c")
        base = wid * npw
        cps = [pltpu.async_copy(idx_hbm.at[pl.ds(base, npw)], idxw_v, sem),
               pltpu.async_copy(tgt_hbm.at[pl.ds(base, npw)], tgtw_v, sem),
               pltpu.async_copy(lse_hbm, lse_v, sem),
               pltpu.async_copy(iota_hbm.at[pl.ds(0, npw)], iota_v, sem)]
        for cp in cps:
            cp.wait()

        @plsc.parallel_loop(0, npw // L, unroll=4)
        def _gq(m):
            i16 = idxw_v[pl.ds(m * L, L)]
            t16 = tgtw_v[pl.ds(m * L, L)]
            gq_v[pl.ds(m * L, L)] = i16 * cg + lax.shift_right_logical(t16, 3)

        copies = []
        for q in range(npw // 80):
            copies.append(pltpu.async_copy(
                tab8_hbm.at[gq_v.at[pl.ds(q * 80, 80)]],
                vals_v.at[pl.ds(q * 80, 80)], sem))
        for cp in copies:
            cp.wait()

        @plsc.parallel_loop(0, npw // L, unroll=4,
                            carry=jnp.zeros((L,), jnp.float32))
        def acc(m, a):
            i16 = idxw_v[pl.ds(m * L, L)]
            t16 = tgtw_v[pl.ds(m * L, L)]
            j16 = iota_v[pl.ds(m * L, L)]
            lse16 = plsc.load_gather(lse_v, [i16])
            tv16 = plsc.load_gather(vals_v, [j16, jnp.bitwise_and(t16, 7)])
            return a + (lse16 - tv16)

        acc_v[...] = acc
        pltpu.sync_copy(acc_v, part_hbm.at[wid])

    return loss_kernel


def kernel(idx, targets, table):
    v = table.shape[0]
    b, t = idx.shape
    n_rows = b * t

    idx1d = idx.reshape(-1)
    tgt1d = targets.reshape(-1)
    tab8 = table.reshape(v * v // CW, CW)
    iota = jnp.minimum(jnp.arange(v + 8, dtype=jnp.int32), v - 1)

    lse = pl.pallas_call(
        _lse_body,
        out_shape=jax.ShapeDtypeStruct((v,), jnp.float32),
    )(table)

    p4d = _make_gather_kernel(n_rows, v)(tab8, idx1d, iota)
    part = _make_loss_kernel(n_rows, v)(tab8, idx1d, tgt1d, lse, iota, p4d)
    logits2 = p4d.transpose(1, 3, 0, 2).reshape(n_rows, v)

    loss2d = pl.pallas_call(
        functools.partial(_fin_body, n_rows=n_rows),
        out_shape=jax.ShapeDtypeStruct((1, 1), jnp.float32),
    )(part)

    return (logits2, loss2d[0, 0])

# --- scband reference (transcript-rebuilt; emitter-appended) ---
"""Pipeline reference for scband-bigram-lm-62096637166111 (READ-ONLY COPY).

The authoritative reference and input builder live on the scoring server;
editing this copy changes nothing except your own understanding.
"""

import jax, jax.numpy as jnp
import numpy as np

V = 1000
B = 128
T = 200

def setup_inputs(seed: int = 0) -> dict:
    key = jax.random.key(seed)
    k1, k2, k3 = jax.random.split(key, 3)
    idx = jax.random.randint(k1, (B, T), 0, V)
    targets = jax.random.randint(k2, (B, T), 0, V)
    # learned parameter: token embedding table [vocab_size, vocab_size]
    table = jax.random.normal(k3, (V, V), dtype=jnp.float32) * 0.02
    return {"idx": idx, "targets": targets, "table": table}

def reference(idx, targets, table):
    # logits = embedding lookup: table[idx] -> [B, T, C]
    logits = jnp.take(table, idx, axis=0)
    Bv, Tv, Cv = logits.shape
    logits2 = logits.reshape(Bv * Tv, Cv)
    tflat = targets.reshape(Bv * Tv)
    # cross entropy (mean reduction, matching F.cross_entropy)
    logp = jax.nn.log_softmax(logits2, axis=-1)
    nll = -jnp.take_along_axis(logp, tflat[:, None], axis=1)[:, 0]
    loss = jnp.mean(nll)
    return (logits2, loss)

if __name__ == "__main__":
    import jax
    _d = setup_inputs()
    print(jax.jit(kernel)(*tuple(_d.values())))

</pallas_src>

<mosaic_0001>
#map = affine_map<(d0, d1) -> (0, 0)>
#map1 = affine_map<(d0, d1) -> (0)>
#map2 = affine_map<(d0, d1) -> (0, 0, 0, 0)>
module attributes {stable_mosaic.version = 14 : i64} {
  func.func @loss_kernel(%arg0: i32, %arg1: i32, %arg2: memref<125000x8xf32, #tpu.memory_space<hbm>>, %arg3: memref<25600xi32, #tpu.memory_space<hbm>>, %arg4: memref<25600xi32, #tpu.memory_space<hbm>>, %arg5: memref<1000xf32, #tpu.memory_space<hbm>>, %arg6: memref<1008xi32, #tpu.memory_space<hbm>>, %arg7: memref<125x200x8x128xf32, #tpu.memory_space<hbm>>, %arg8: memref<32x16xf32, #tpu.memory_space<hbm>>, %arg9: memref<800xi32, #tpu.memory_space<vmem>>, %arg10: memref<800xi32, #tpu.memory_space<vmem>>, %arg11: memref<800xi32, #tpu.memory_space<vmem>>, %arg12: memref<800xi32, #tpu.memory_space<vmem>>, %arg13: memref<800x8xf32, #tpu.memory_space<vmem>>, %arg14: memref<1000xf32, #tpu.memory_space<vmem>>, %arg15: memref<16xf32, #tpu.memory_space<vmem>>, %arg16: memref<!tpu.dma_semaphore, #tpu.memory_space<semaphore_mem>>) attributes {dimension_semantics = [#tpu.dimension_semantics<core_parallel>, #tpu.dimension_semantics<subcore_parallel>], iteration_bounds = array<i64: 2, 16>, scalar_prefetch = 0 : i64, scratch_operands = 8 : i64, tpu.core_type = #tpu.core_type<sc_vector_subcore>, window_params = [{transform_indices = #map}, {transform_indices = #map1}, {transform_indices = #map1}, {transform_indices = #map1}, {transform_indices = #map1}, {transform_indices = #map2}, {transform_indices = #map}]} {
    %mul3A = arith.constant 2 : i32
    %mul3A_0 = arith.muli %arg1, %mul3A : i32
    %add3A = arith.addi %mul3A_0, %arg0 : i32
    %mul3A_1 = arith.constant 800 : i32
    %mul3A_2 = arith.muli %add3A, %mul3A_1 : i32
    %dma_start3A = tpu.memref_slice %arg3[%mul3A_2] : memref<25600xi32, #tpu.memory_space<hbm>> -> memref<800xi32, #tpu.memory_space<hbm>>
    %dma_start3A_3 = tpu.memref_slice %arg3[%mul3A_2] : memref<25600xi32, #tpu.memory_space<hbm>> -> memref<800xi32, #tpu.memory_space<hbm>>
    tpu.enqueue_dma source(%dma_start3A_3 : memref<800xi32, #tpu.memory_space<hbm>>) target(%arg9 : memref<800xi32, #tpu.memory_space<vmem>>) target_semaphore(%arg16 : memref<!tpu.dma_semaphore, #tpu.memory_space<semaphore_mem>>)
    %dma_start3A_4 = tpu.memref_slice %arg4[%mul3A_2] : memref<25600xi32, #tpu.memory_space<hbm>> -> memref<800xi32, #tpu.memory_space<hbm>>
    %dma_start3A_5 = tpu.memref_slice %arg4[%mul3A_2] : memref<25600xi32, #tpu.memory_space<hbm>> -> memref<800xi32, #tpu.memory_space<hbm>>
    tpu.enqueue_dma source(%dma_start3A_5 : memref<800xi32, #tpu.memory_space<hbm>>) target(%arg10 : memref<800xi32, #tpu.memory_space<vmem>>) target_semaphore(%arg16 : memref<!tpu.dma_semaphore, #tpu.memory_space<semaphore_mem>>)
    tpu.enqueue_dma source(%arg5 : memref<1000xf32, #tpu.memory_space<hbm>>) target(%arg14 : memref<1000xf32, #tpu.memory_space<vmem>>) target_semaphore(%arg16 : memref<!tpu.dma_semaphore, #tpu.memory_space<semaphore_mem>>)
    %dma_start3A_6 = arith.constant 0 : i32
    %dma_start3A_7 = tpu.memref_slice %arg6[%dma_start3A_6] : memref<1008xi32, #tpu.memory_space<hbm>> -> memref<800xi32, #tpu.memory_space<hbm>>
    %dma_start3A_8 = arith.constant 0 : i32
    %dma_start3A_9 = tpu.memref_slice %arg6[%dma_start3A_8] : memref<1008xi32, #tpu.memory_space<hbm>> -> memref<800xi32, #tpu.memory_space<hbm>>
    tpu.enqueue_dma source(%dma_start3A_9 : memref<800xi32, #tpu.memory_space<hbm>>) target(%arg11 : memref<800xi32, #tpu.memory_space<vmem>>) target_semaphore(%arg16 : memref<!tpu.dma_semaphore, #tpu.memory_space<semaphore_mem>>)
    %dma_wait3A = tpu.memref_slice %arg3[%mul3A_2] : memref<25600xi32, #tpu.memory_space<hbm>> -> memref<800xi32, #tpu.memory_space<hbm>>
    %dma_wait3A_10 = tpu.memref_slice %arg3[%mul3A_2] : memref<25600xi32, #tpu.memory_space<hbm>> -> memref<800xi32, #tpu.memory_space<hbm>>
    tpu.wait_dma2 semaphore(%arg16 : memref<!tpu.dma_semaphore, #tpu.memory_space<semaphore_mem>>) src(%dma_wait3A_10 : memref<800xi32, #tpu.memory_space<hbm>>) dst(%arg9 : memref<800xi32, #tpu.memory_space<vmem>>)
    %dma_wait3A_11 = tpu.memref_slice %arg4[%mul3A_2] : memref<25600xi32, #tpu.memory_space<hbm>> -> memref<800xi32, #tpu.memory_space<hbm>>
    %dma_wait3A_12 = tpu.memref_slice %arg4[%mul3A_2] : memref<25600xi32, #tpu.memory_space<hbm>> -> memref<800xi32, #tpu.memory_space<hbm>>
    tpu.wait_dma2 semaphore(%arg16 : memref<!tpu.dma_semaphore, #tpu.memory_space<semaphore_mem>>) src(%dma_wait3A_12 : memref<800xi32, #tpu.memory_space<hbm>>) dst(%arg10 : memref<800xi32, #tpu.memory_space<vmem>>)
    tpu.wait_dma2 semaphore(%arg16 : memref<!tpu.dma_semaphore, #tpu.memory_space<semaphore_mem>>) src(%arg5 : memref<1000xf32, #tpu.memory_space<hbm>>) dst(%arg14 : memref<1000xf32, #tpu.memory_space<vmem>>)
    %dma_wait3A_13 = arith.constant 0 : i32
    %dma_wait3A_14 = tpu.memref_slice %arg6[%dma_wait3A_13] : memref<1008xi32, #tpu.memory_space<hbm>> -> memref<800xi32, #tpu.memory_space<hbm>>
    %dma_wait3A_15 = arith.constant 0 : i32
    %dma_wait3A_16 = tpu.memref_slice %arg6[%dma_wait3A_15] : memref<1008xi32, #tpu.memory_space<hbm>> -> memref<800xi32, #tpu.memory_space<hbm>>
    tpu.wait_dma2 semaphore(%arg16 : memref<!tpu.dma_semaphore, #tpu.memory_space<semaphore_mem>>) src(%dma_wait3A_16 : memref<800xi32, #tpu.memory_space<hbm>>) dst(%arg11 : memref<800xi32, #tpu.memory_space<vmem>>)
    %parallel_loop3A = arith.constant 0 : i32
    %parallel_loop3A_17 = arith.constant 50 : i32
    %parallel_loop3A_18 = arith.constant 1 : i32
    scf.for %parallel_loop3A_185 = %parallel_loop3A to %parallel_loop3A_17 step %parallel_loop3A_18  : i32 {
      %parallel_loop3A_186 = arith.constant 16 : i32
      %parallel_loop3A_187 = arith.muli %parallel_loop3A_185, %parallel_loop3A_186 : i32
      %parallel_loop3A_188 = arith.index_cast %parallel_loop3A_187 : i32 to index
      %parallel_loop3A_189 = tpu.vector_load %arg9[%parallel_loop3A_188] {strides = array<i32>} : memref<800xi32, #tpu.memory_space<vmem>>, vector<16xi32>,
      %parallel_loop3A_190 = arith.constant 16 : i32
      %parallel_loop3A_191 = arith.muli %parallel_loop3A_185, %parallel_loop3A_190 : i32
      %parallel_loop3A_192 = arith.index_cast %parallel_loop3A_191 : i32 to index
      %parallel_loop3A_193 = tpu.vector_load %arg10[%parallel_loop3A_192] {strides = array<i32>} : memref<800xi32, #tpu.memory_space<vmem>>, vector<16xi32>,
      %parallel_loop3A_194 = arith.constant 125 : i32
      %parallel_loop3A_195 = vector.broadcast %parallel_loop3A_194 : i32 to vector<16xi32>
      %parallel_loop3A_196 = arith.muli %parallel_loop3A_189, %parallel_loop3A_195 : vector<16xi32>
      %parallel_loop3A_197 = arith.constant 3 : i32
      %parallel_loop3A_198 = vector.broadcast %parallel_loop3A_197 : i32 to vector<16xi32>
      %parallel_loop3A_199 = arith.shrui %parallel_loop3A_193, %parallel_loop3A_198 : vector<16xi32>
      %parallel_loop3A_200 = arith.addi %parallel_loop3A_196, %parallel_loop3A_199 : vector<16xi32>
      %parallel_loop3A_201 = arith.constant 16 : i32
      %parallel_loop3A_202 = arith.muli %parallel_loop3A_185, %parallel_loop3A_201 : i32
      %parallel_loop3A_203 = arith.index_cast %parallel_loop3A_202 : i32 to index
      %parallel_loop3A_204 = tpu.vector_load %arg12[%parallel_loop3A_203] {strides = array<i32>} : memref<800xi32, #tpu.memory_space<vmem>>, vector<16xi32>,
      tpu.vector_store %arg12[%parallel_loop3A_203], %parallel_loop3A_200 {strides = array<i32>} : memref<800xi32, #tpu.memory_space<vmem>>, vector<16xi32>,
    } {sc.loop_unroll_factor = 4 : i64, sc.parallel_access}
    %dma_start3A_19 = arith.constant 0 : i32
    %dma_start3A_20 = arith.constant 0 : i32
    %dma_start3A_21 = tpu.memref_slice %arg13[%dma_start3A_19, %dma_start3A_20] : memref<800x8xf32, #tpu.memory_space<vmem>> -> memref<80x8xf32, #tpu.memory_space<vmem>>
    %dma_start3A_22 = arith.constant 0 : i32
    %dma_start3A_23 = tpu.memref_slice %arg12[%dma_start3A_22] : memref<800xi32, #tpu.memory_space<vmem>> -> memref<80xi32, #tpu.memory_space<vmem>>
    %dma_start3A_24 = arith.constant 0 : i32
    %dma_start3A_25 = arith.constant 0 : i32
    %dma_start3A_26 = tpu.memref_slice %arg2[%dma_start3A_24, %dma_start3A_25] : memref<125000x8xf32, #tpu.memory_space<hbm>> -> memref<125000x8xf32, #tpu.memory_space<hbm>>
    tpu.enqueue_indirect_dma source(%dma_start3A_26 : memref<125000x8xf32, #tpu.memory_space<hbm>>) target(%dma_start3A_21 : memref<80x8xf32, #tpu.memory_space<vmem>>) offsets(%dma_start3A_23 : memref<80xi32, #tpu.memory_space<vmem>>) semaphore(%arg16 : memref<!tpu.dma_semaphore, #tpu.memory_space<semaphore_mem>>)
    %dma_start3A_27 = arith.constant 80 : i32
    %dma_start3A_28 = arith.constant 0 : i32
    %dma_start3A_29 = tpu.memref_slice %arg13[%dma_start3A_27, %dma_start3A_28] : memref<800x8xf32, #tpu.memory_space<vmem>> -> memref<80x8xf32, #tpu.memory_space<vmem>>
    %dma_start3A_30 = arith.constant 80 : i32
    %dma_start3A_31 = tpu.memref_slice %arg12[%dma_start3A_30] : memref<800xi32, #tpu.memory_space<vmem>> -> memref<80xi32, #tpu.memory_space<vmem>>
    %dma_start3A_32 = arith.constant 0 : i32
    %dma_start3A_33 = arith.constant 0 : i32
    %dma_start3A_34 = tpu.memref_slice %arg2[%dma_start3A_32, %dma_start3A_33] : memref<125000x8xf32, #tpu.memory_space<hbm>> -> memref<125000x8xf32, #tpu.memory_space<hbm>>
    tpu.enqueue_indirect_dma source(%dma_start3A_34 : memref<125000x8xf32, #tpu.memory_space<hbm>>) target(%dma_start3A_29 : memref<80x8xf32, #tpu.memory_space<vmem>>) offsets(%dma_start3A_31 : memref<80xi32, #tpu.memory_space<vmem>>) semaphore(%arg16 : memref<!tpu.dma_semaphore, #tpu.memory_space<semaphore_mem>>)
    %dma_start3A_35 = arith.constant 160 : i32
    %dma_start3A_36 = arith.constant 0 : i32
    %dma_start3A_37 = tpu.memref_slice %arg13[%dma_start3A_35, %dma_start3A_36] : memref<800x8xf32, #tpu.memory_space<vmem>> -> memref<80x8xf32, #tpu.memory_space<vmem>>
    %dma_start3A_38 = arith.constant 160 : i32
    %dma_start3A_39 = tpu.memref_slice %arg12[%dma_start3A_38] : memref<800xi32, #tpu.memory_space<vmem>> -> memref<80xi32, #tpu.memory_space<vmem>>
    %dma_start3A_40 = arith.constant 0 : i32
    %dma_start3A_41 = arith.constant 0 : i32
    %dma_start3A_42 = tpu.memref_slice %arg2[%dma_start3A_40, %dma_start3A_41] : memref<125000x8xf32, #tpu.memory_space<hbm>> -> memref<125000x8xf32, #tpu.memory_space<hbm>>
    tpu.enqueue_indirect_dma source(%dma_start3A_42 : memref<125000x8xf32, #tpu.memory_space<hbm>>) target(%dma_start3A_37 : memref<80x8xf32, #tpu.memory_space<vmem>>) offsets(%dma_start3A_39 : memref<80xi32, #tpu.memory_space<vmem>>) semaphore(%arg16 : memref<!tpu.dma_semaphore, #tpu.memory_space<semaphore_mem>>)
    %dma_start3A_43 = arith.constant 240 : i32
    %dma_start3A_44 = arith.constant 0 : i32
    %dma_start3A_45 = tpu.memref_slice %arg13[%dma_start3A_43, %dma_start3A_44] : memref<800x8xf32, #tpu.memory_space<vmem>> -> memref<80x8xf32, #tpu.memory_space<vmem>>
    %dma_start3A_46 = arith.constant 240 : i32
    %dma_start3A_47 = tpu.memref_slice %arg12[%dma_start3A_46] : memref<800xi32, #tpu.memory_space<vmem>> -> memref<80xi32, #tpu.memory_space<vmem>>
    %dma_start3A_48 = arith.constant 0 : i32
    %dma_start3A_49 = arith.constant 0 : i32
    %dma_start3A_50 = tpu.memref_slice %arg2[%dma_start3A_48, %dma_start3A_49] : memref<125000x8xf32, #tpu.memory_space<hbm>> -> memref<125000x8xf32, #tpu.memory_space<hbm>>
    tpu.enqueue_indirect_dma source(%dma_start3A_50 : memref<125000x8xf32, #tpu.memory_space<hbm>>) target(%dma_start3A_45 : memref<80x8xf32, #tpu.memory_space<vmem>>) offsets(%dma_start3A_47 : memref<80xi32, #tpu.memory_space<vmem>>) semaphore(%arg16 : memref<!tpu.dma_semaphore, #tpu.memory_space<semaphore_mem>>)
    %dma_start3A_51 = arith.constant 320 : i32
    %dma_start3A_52 = arith.constant 0 : i32
    %dma_start3A_53 = tpu.memref_slice %arg13[%dma_start3A_51, %dma_start3A_52] : memref<800x8xf32, #tpu.memory_space<vmem>> -> memref<80x8xf32, #tpu.memory_space<vmem>>
    %dma_start3A_54 = arith.constant 320 : i32
    %dma_start3A_55 = tpu.memref_slice %arg12[%dma_start3A_54] : memref<800xi32, #tpu.memory_space<vmem>> -> memref<80xi32, #tpu.memory_space<vmem>>
    %dma_start3A_56 = arith.constant 0 : i32
    %dma_start3A_57 = arith.constant 0 : i32
    %dma_start3A_58 = tpu.memref_slice %arg2[%dma_start3A_56, %dma_start3A_57] : memref<125000x8xf32, #tpu.memory_space<hbm>> -> memref<125000x8xf32, #tpu.memory_space<hbm>>
    tpu.enqueue_indirect_dma source(%dma_start3A_58 : memref<125000x8xf32, #tpu.memory_space<hbm>>) target(%dma_start3A_53 : memref<80x8xf32, #tpu.memory_space<vmem>>) offsets(%dma_start3A_55 : memref<80xi32, #tpu.memory_space<vmem>>) semaphore(%arg16 : memref<!tpu.dma_semaphore, #tpu.memory_space<semaphore_mem>>)
    %dma_start3A_59 = arith.constant 400 : i32
    %dma_start3A_60 = arith.constant 0 : i32
    %dma_start3A_61 = tpu.memref_slice %arg13[%dma_start3A_59, %dma_start3A_60] : memref<800x8xf32, #tpu.memory_space<vmem>> -> memref<80x8xf32, #tpu.memory_space<vmem>>
    %dma_start3A_62 = arith.constant 400 : i32
    %dma_start3A_63 = tpu.memref_slice %arg12[%dma_start3A_62] : memref<800xi32, #tpu.memory_space<vmem>> -> memref<80xi32, #tpu.memory_space<vmem>>
    %dma_start3A_64 = arith.constant 0 : i32
    %dma_start3A_65 = arith.constant 0 : i32
    %dma_start3A_66 = tpu.memref_slice %arg2[%dma_start3A_64, %dma_start3A_65] : memref<125000x8xf32, #tpu.memory_space<hbm>> -> memref<125000x8xf32, #tpu.memory_space<hbm>>
    tpu.enqueue_indirect_dma source(%dma_start3A_66 : memref<125000x8xf32, #tpu.memory_space<hbm>>) target(%dma_start3A_61 : memref<80x8xf32, #tpu.memory_space<vmem>>) offsets(%dma_start3A_63 : memref<80xi32, #tpu.memory_space<vmem>>) semaphore(%arg16 : memref<!tpu.dma_semaphore, #tpu.memory_space<semaphore_mem>>)
    %dma_start3A_67 = arith.constant 480 : i32
    %dma_start3A_68 = arith.constant 0 : i32
    %dma_start3A_69 = tpu.memref_slice %arg13[%dma_start3A_67, %dma_start3A_68] : memref<800x8xf32, #tpu.memory_space<vmem>> -> memref<80x8xf32, #tpu.memory_space<vmem>>
    %dma_start3A_70 = arith.constant 480 : i32
    %dma_start3A_71 = tpu.memref_slice %arg12[%dma_start3A_70] : memref<800xi32, #tpu.memory_space<vmem>> -> memref<80xi32, #tpu.memory_space<vmem>>
    %dma_start3A_72 = arith.constant 0 : i32
    %dma_start3A_73 = arith.constant 0 : i32
    %dma_start3A_74 = tpu.memref_slice %arg2[%dma_start3A_72, %dma_start3A_73] : memref<125000x8xf32, #tpu.memory_space<hbm>> -> memref<125000x8xf32, #tpu.memory_space<hbm>>
    tpu.enqueue_indirect_dma source(%dma_start3A_74 : memref<125000x8xf32, #tpu.memory_space<hbm>>) target(%dma_start3A_69 : memref<80x8xf32, #tpu.memory_space<vmem>>) offsets(%dma_start3A_71 : memref<80xi32, #tpu.memory_space<vmem>>) semaphore(%arg16 : memref<!tpu.dma_semaphore, #tpu.memory_space<semaphore_mem>>)
    %dma_start3A_75 = arith.constant 560 : i32
    %dma_start3A_76 = arith.constant 0 : i32
    %dma_start3A_77 = tpu.memref_slice %arg13[%dma_start3A_75, %dma_start3A_76] : memref<800x8xf32, #tpu.memory_space<vmem>> -> memref<80x8xf32, #tpu.memory_space<vmem>>
    %dma_start3A_78 = arith.constant 560 : i32
    %dma_start3A_79 = tpu.memref_slice %arg12[%dma_start3A_78] : memref<800xi32, #tpu.memory_space<vmem>> -> memref<80xi32, #tpu.memory_space<vmem>>
    %dma_start3A_80 = arith.constant 0 : i32
    %dma_start3A_81 = arith.constant 0 : i32
    %dma_start3A_82 = tpu.memref_slice %arg2[%dma_start3A_80, %dma_start3A_81] : memref<125000x8xf32, #tpu.memory_space<hbm>> -> memref<125000x8xf32, #tpu.memory_space<hbm>>
    tpu.enqueue_indirect_dma source(%dma_start3A_82 : memref<125000x8xf32, #tpu.memory_space<hbm>>) target(%dma_start3A_77 : memref<80x8xf32, #tpu.memory_space<vmem>>) offsets(%dma_start3A_79 : memref<80xi32, #tpu.memory_space<vmem>>) semaphore(%arg16 : memref<!tpu.dma_semaphore, #tpu.memory_space<semaphore_mem>>)
    %dma_start3A_83 = arith.constant 640 : i32
    %dma_start3A_84 = arith.constant 0 : i32
    %dma_start3A_85 = tpu.memref_slice %arg13[%dma_start3A_83, %dma_start3A_84] : memref<800x8xf32, #tpu.memory_space<vmem>> -> memref<80x8xf32, #tpu.memory_space<vmem>>
    %dma_start3A_86 = arith.constant 640 : i32
    %dma_start3A_87 = tpu.memref_slice %arg12[%dma_start3A_86] : memref<800xi32, #tpu.memory_space<vmem>> -> memref<80xi32, #tpu.memory_space<vmem>>
    %dma_start3A_88 = arith.constant 0 : i32
    %dma_start3A_89 = arith.constant 0 : i32
    %dma_start3A_90 = tpu.memref_slice %arg2[%dma_start3A_88, %dma_start3A_89] : memref<125000x8xf32, #tpu.memory_space<hbm>> -> memref<125000x8xf32, #tpu.memory_space<hbm>>
    tpu.enqueue_indirect_dma source(%dma_start3A_90 : memref<125000x8xf32, #tpu.memory_space<hbm>>) target(%dma_start3A_85 : memref<80x8xf32, #tpu.memory_space<vmem>>) offsets(%dma_start3A_87 : memref<80xi32, #tpu.memory_space<vmem>>) semaphore(%arg16 : memref<!tpu.dma_semaphore, #tpu.memory_space<semaphore_mem>>)
    %dma_start3A_91 = arith.constant 720 : i32
    %dma_start3A_92 = arith.constant 0 : i32
    %dma_start3A_93 = tpu.memref_slice %arg13[%dma_start3A_91, %dma_start3A_92] : memref<800x8xf32, #tpu.memory_space<vmem>> -> memref<80x8xf32, #tpu.memory_space<vmem>>
    %dma_start3A_94 = arith.constant 720 : i32
    %dma_start3A_95 = tpu.memref_slice %arg12[%dma_start3A_94] : memref<800xi32, #tpu.memory_space<vmem>> -> memref<80xi32, #tpu.memory_space<vmem>>
    %dma_start3A_96 = arith.constant 0 : i32
    %dma_start3A_97 = arith.constant 0 : i32
    %dma_start3A_98 = tpu.memref_slice %arg2[%dma_start3A_96, %dma_start3A_97] : memref<125000x8xf32, #tpu.memory_space<hbm>> -> memref<125000x8xf32, #tpu.memory_space<hbm>>
    tpu.enqueue_indirect_dma source(%dma_start3A_98 : memref<125000x8xf32, #tpu.memory_space<hbm>>) target(%dma_start3A_93 : memref<80x8xf32, #tpu.memory_space<vmem>>) offsets(%dma_start3A_95 : memref<80xi32, #tpu.memory_space<vmem>>) semaphore(%arg16 : memref<!tpu.dma_semaphore, #tpu.memory_space<semaphore_mem>>)
    %dma_wait3A_99 = arith.constant 0 : i32
    %dma_wait3A_100 = arith.constant 0 : i32
    %dma_wait3A_101 = tpu.memref_slice %arg13[%dma_wait3A_99, %dma_wait3A_100] : memref<800x8xf32, #tpu.memory_space<vmem>> -> memref<80x8xf32, #tpu.memory_space<vmem>>
    %dma_wait3A_102 = arith.constant 0 : i32
    %dma_wait3A_103 = tpu.memref_slice %arg12[%dma_wait3A_102] : memref<800xi32, #tpu.memory_space<vmem>> -> memref<80xi32, #tpu.memory_space<vmem>>
    %dma_wait3A_104 = arith.constant 0 : i32
    %dma_wait3A_105 = arith.constant 0 : i32
    %dma_wait3A_106 = tpu.memref_slice %arg2[%dma_wait3A_104, %dma_wait3A_105] : memref<125000x8xf32, #tpu.memory_space<hbm>> -> memref<125000x8xf32, #tpu.memory_space<hbm>>
    tpu.wait_indirect_dma semaphore(%arg16 : memref<!tpu.dma_semaphore, #tpu.memory_space<semaphore_mem>>) src(%dma_wait3A_106 : memref<125000x8xf32, #tpu.memory_space<hbm>>) dst(%dma_wait3A_101 : memref<80x8xf32, #tpu.memory_space<vmem>>)
    %dma_wait3A_107 = arith.constant 80 : i32
    %dma_wait3A_108 = arith.constant 0 : i32
    %dma_wait3A_109 = tpu.memref_slice %arg13[%dma_wait3A_107, %dma_wait3A_108] : memref<800x8xf32, #tpu.memory_space<vmem>> -> memref<80x8xf32, #tpu.memory_space<vmem>>
    %dma_wait3A_110 = arith.constant 80 : i32
    %dma_wait3A_111 = tpu.memref_slice %arg12[%dma_wait3A_110] : memref<800xi32, #tpu.memory_space<vmem>> -> memref<80xi32, #tpu.memory_space<vmem>>
    %dma_wait3A_112 = arith.constant 0 : i32
    %dma_wait3A_113 = arith.constant 0 : i32
    %dma_wait3A_114 = tpu.memref_slice %arg2[%dma_wait3A_112, %dma_wait3A_113] : memref<125000x8xf32, #tpu.memory_space<hbm>> -> memref<125000x8xf32, #tpu.memory_space<hbm>>
    tpu.wait_indirect_dma semaphore(%arg16 : memref<!tpu.dma_semaphore, #tpu.memory_space<semaphore_mem>>) src(%dma_wait3A_114 : memref<125000x8xf32, #tpu.memory_space<hbm>>) dst(%dma_wait3A_109 : memref<80x8xf32, #tpu.memory_space<vmem>>)
    %dma_wait3A_115 = arith.constant 160 : i32
    %dma_wait3A_116 = arith.constant 0 : i32
    %dma_wait3A_117 = tpu.memref_slice %arg13[%dma_wait3A_115, %dma_wait3A_116] : memref<800x8xf32, #tpu.memory_space<vmem>> -> memref<80x8xf32, #tpu.memory_space<vmem>>
    %dma_wait3A_118 = arith.constant 160 : i32
    %dma_wait3A_119 = tpu.memref_slice %arg12[%dma_wait3A_118] : memref<800xi32, #tpu.memory_space<vmem>> -> memref<80xi32, #tpu.memory_space<vmem>>
    %dma_wait3A_120 = arith.constant 0 : i32
    %dma_wait3A_121 = arith.constant 0 : i32
    %dma_wait3A_122 = tpu.memref_slice %arg2[%dma_wait3A_120, %dma_wait3A_121] : memref<125000x8xf32, #tpu.memory_space<hbm>> -> memref<125000x8xf32, #tpu.memory_space<hbm>>
    tpu.wait_indirect_dma semaphore(%arg16 : memref<!tpu.dma_semaphore, #tpu.memory_space<semaphore_mem>>) src(%dma_wait3A_122 : memref<125000x8xf32, #tpu.memory_space<hbm>>) dst(%dma_wait3A_117 : memref<80x8xf32, #tpu.memory_space<vmem>>)
    %dma_wait3A_123 = arith.constant 240 : i32
    %dma_wait3A_124 = arith.constant 0 : i32
    %dma_wait3A_125 = tpu.memref_slice %arg13[%dma_wait3A_123, %dma_wait3A_124] : memref<800x8xf32, #tpu.memory_space<vmem>> -> memref<80x8xf32, #tpu.memory_space<vmem>>
    %dma_wait3A_126 = arith.constant 240 : i32
    %dma_wait3A_127 = tpu.memref_slice %arg12[%dma_wait3A_126] : memref<800xi32, #tpu.memory_space<vmem>> -> memref<80xi32, #tpu.memory_space<vmem>>
    %dma_wait3A_128 = arith.constant 0 : i32
    %dma_wait3A_129 = arith.constant 0 : i32
    %dma_wait3A_130 = tpu.memref_slice %arg2[%dma_wait3A_128, %dma_wait3A_129] : memref<125000x8xf32, #tpu.memory_space<hbm>> -> memref<125000x8xf32, #tpu.memory_space<hbm>>
    tpu.wait_indirect_dma semaphore(%arg16 : memref<!tpu.dma_semaphore, #tpu.memory_space<semaphore_mem>>) src(%dma_wait3A_130 : memref<125000x8xf32, #tpu.memory_space<hbm>>) dst(%dma_wait3A_125 : memref<80x8xf32, #tpu.memory_space<vmem>>)
    %dma_wait3A_131 = arith.constant 320 : i32
    %dma_wait3A_132 = arith.constant 0 : i32
    %dma_wait3A_133 = tpu.memref_slice %arg13[%dma_wait3A_131, %dma_wait3A_132] : memref<800x8xf32, #tpu.memory_space<vmem>> -> memref<80x8xf32, #tpu.memory_space<vmem>>
    %dma_wait3A_134 = arith.constant 320 : i32
    %dma_wait3A_135 = tpu.memref_slice %arg12[%dma_wait3A_134] : memref<800xi32, #tpu.memory_space<vmem>> -> memref<80xi32, #tpu.memory_space<vmem>>
    %dma_wait3A_136 = arith.constant 0 : i32
    %dma_wait3A_137 = arith.constant 0 : i32
    %dma_wait3A_138 = tpu.memref_slice %arg2[%dma_wait3A_136, %dma_wait3A_137] : memref<125000x8xf32, #tpu.memory_space<hbm>> -> memref<125000x8xf32, #tpu.memory_space<hbm>>
    tpu.wait_indirect_dma semaphore(%arg16 : memref<!tpu.dma_semaphore, #tpu.memory_space<semaphore_mem>>) src(%dma_wait3A_138 : memref<125000x8xf32, #tpu.memory_space<hbm>>) dst(%dma_wait3A_133 : memref<80x8xf32, #tpu.memory_space<vmem>>)
    %dma_wait3A_139 = arith.constant 400 : i32
    %dma_wait3A_140 = arith.constant 0 : i32
    %dma_wait3A_141 = tpu.memref_slice %arg13[%dma_wait3A_139, %dma_wait3A_140] : memref<800x8xf32, #tpu.memory_space<vmem>> -> memref<80x8xf32, #tpu.memory_space<vmem>>
    %dma_wait3A_142 = arith.constant 400 : i32
    %dma_wait3A_143 = tpu.memref_slice %arg12[%dma_wait3A_142] : memref<800xi32, #tpu.memory_space<vmem>> -> memref<80xi32, #tpu.memory_space<vmem>>
    %dma_wait3A_144 = arith.constant 0 : i32
    %dma_wait3A_145 = arith.constant 0 : i32
    %dma_wait3A_146 = tpu.memref_slice %arg2[%dma_wait3A_144, %dma_wait3A_145] : memref<125000x8xf32, #tpu.memory_space<hbm>> -> memref<125000x8xf32, #tpu.memory_space<hbm>>
    tpu.wait_indirect_dma semaphore(%arg16 : memref<!tpu.dma_semaphore, #tpu.memory_space<semaphore_mem>>) src(%dma_wait3A_146 : memref<125000x8xf32, #tpu.memory_space<hbm>>) dst(%dma_wait3A_141 : memref<80x8xf32, #tpu.memory_space<vmem>>)
    %dma_wait3A_147 = arith.constant 480 : i32
    %dma_wait3A_148 = arith.constant 0 : i32
    %dma_wait3A_149 = tpu.memref_slice %arg13[%dma_wait3A_147, %dma_wait3A_148] : memref<800x8xf32, #tpu.memory_space<vmem>> -> memref<80x8xf32, #tpu.memory_space<vmem>>
    %dma_wait3A_150 = arith.constant 480 : i32
    %dma_wait3A_151 = tpu.memref_slice %arg12[%dma_wait3A_150] : memref<800xi32, #tpu.memory_space<vmem>> -> memref<80xi32, #tpu.memory_space<vmem>>
    %dma_wait3A_152 = arith.constant 0 : i32
    %dma_wait3A_153 = arith.constant 0 : i32
    %dma_wait3A_154 = tpu.memref_slice %arg2[%dma_wait3A_152, %dma_wait3A_153] : memref<125000x8xf32, #tpu.memory_space<hbm>> -> memref<125000x8xf32, #tpu.memory_space<hbm>>
    tpu.wait_indirect_dma semaphore(%arg16 : memref<!tpu.dma_semaphore, #tpu.memory_space<semaphore_mem>>) src(%dma_wait3A_154 : memref<125000x8xf32, #tpu.memory_space<hbm>>) dst(%dma_wait3A_149 : memref<80x8xf32, #tpu.memory_space<vmem>>)
    %dma_wait3A_155 = arith.constant 560 : i32
    %dma_wait3A_156 = arith.constant 0 : i32
    %dma_wait3A_157 = tpu.memref_slice %arg13[%dma_wait3A_155, %dma_wait3A_156] : memref<800x8xf32, #tpu.memory_space<vmem>> -> memref<80x8xf32, #tpu.memory_space<vmem>>
    %dma_wait3A_158 = arith.constant 560 : i32
    %dma_wait3A_159 = tpu.memref_slice %arg12[%dma_wait3A_158] : memref<800xi32, #tpu.memory_space<vmem>> -> memref<80xi32, #tpu.memory_space<vmem>>
    %dma_wait3A_160 = arith.constant 0 : i32
    %dma_wait3A_161 = arith.constant 0 : i32
    %dma_wait3A_162 = tpu.memref_slice %arg2[%dma_wait3A_160, %dma_wait3A_161] : memref<125000x8xf32, #tpu.memory_space<hbm>> -> memref<125000x8xf32, #tpu.memory_space<hbm>>
    tpu.wait_indirect_dma semaphore(%arg16 : memref<!tpu.dma_semaphore, #tpu.memory_space<semaphore_mem>>) src(%dma_wait3A_162 : memref<125000x8xf32, #tpu.memory_space<hbm>>) dst(%dma_wait3A_157 : memref<80x8xf32, #tpu.memory_space<vmem>>)
    %dma_wait3A_163 = arith.constant 640 : i32
    %dma_wait3A_164 = arith.constant 0 : i32
    %dma_wait3A_165 = tpu.memref_slice %arg13[%dma_wait3A_163, %dma_wait3A_164] : memref<800x8xf32, #tpu.memory_space<vmem>> -> memref<80x8xf32, #tpu.memory_space<vmem>>
    %dma_wait3A_166 = arith.constant 640 : i32
    %dma_wait3A_167 = tpu.memref_slice %arg12[%dma_wait3A_166] : memref<800xi32, #tpu.memory_space<vmem>> -> memref<80xi32, #tpu.memory_space<vmem>>
    %dma_wait3A_168 = arith.constant 0 : i32
    %dma_wait3A_169 = arith.constant 0 : i32
    %dma_wait3A_170 = tpu.memref_slice %arg2[%dma_wait3A_168, %dma_wait3A_169] : memref<125000x8xf32, #tpu.memory_space<hbm>> -> memref<125000x8xf32, #tpu.memory_space<hbm>>
    tpu.wait_indirect_dma semaphore(%arg16 : memref<!tpu.dma_semaphore, #tpu.memory_space<semaphore_mem>>) src(%dma_wait3A_170 : memref<125000x8xf32, #tpu.memory_space<hbm>>) dst(%dma_wait3A_165 : memref<80x8xf32, #tpu.memory_space<vmem>>)
    %dma_wait3A_171 = arith.constant 720 : i32
    %dma_wait3A_172 = arith.constant 0 : i32
    %dma_wait3A_173 = tpu.memref_slice %arg13[%dma_wait3A_171, %dma_wait3A_172] : memref<800x8xf32, #tpu.memory_space<vmem>> -> memref<80x8xf32, #tpu.memory_space<vmem>>
    %dma_wait3A_174 = arith.constant 720 : i32
    %dma_wait3A_175 = tpu.memref_slice %arg12[%dma_wait3A_174] : memref<800xi32, #tpu.memory_space<vmem>> -> memref<80xi32, #tpu.memory_space<vmem>>
    %dma_wait3A_176 = arith.constant 0 : i32
    %dma_wait3A_177 = arith.constant 0 : i32
    %dma_wait3A_178 = tpu.memref_slice %arg2[%dma_wait3A_176, %dma_wait3A_177] : memref<125000x8xf32, #tpu.memory_space<hbm>> -> memref<125000x8xf32, #tpu.memory_space<hbm>>
    tpu.wait_indirect_dma semaphore(%arg16 : memref<!tpu.dma_semaphore, #tpu.memory_space<semaphore_mem>>) src(%dma_wait3A_178 : memref<125000x8xf32, #tpu.memory_space<hbm>>) dst(%dma_wait3A_173 : memref<80x8xf32, #tpu.memory_space<vmem>>)
    %broadcast_in_dim3A = arith.constant 0.000000e+00 : f32
    %broadcast_in_dim3A_179 = vector.broadcast %broadcast_in_dim3A : f32 to vector<16xf32>
    %parallel_loop3A_180 = arith.constant 0 : i32
    %parallel_loop3A_181 = arith.constant 50 : i32
    %parallel_loop3A_182 = arith.constant 1 : i32
    %parallel_loop3A_183 = scf.for %parallel_loop3A_185 = %parallel_loop3A_180 to %parallel_loop3A_181 step %parallel_loop3A_182 iter_args(%parallel_loop3A_186 = %broadcast_in_dim3A_179) -> (vector<16xf32>)  : i32 {
      %parallel_loop3A_187 = arith.constant 16 : i32
      %parallel_loop3A_188 = arith.muli %parallel_loop3A_185, %parallel_loop3A_187 : i32
      %parallel_loop3A_189 = arith.index_cast %parallel_loop3A_188 : i32 to index
      %parallel_loop3A_190 = tpu.vector_load %arg9[%parallel_loop3A_189] {strides = array<i32>} : memref<800xi32, #tpu.memory_space<vmem>>, vector<16xi32>,
      %parallel_loop3A_191 = arith.constant 16 : i32
      %parallel_loop3A_192 = arith.muli %parallel_loop3A_185, %parallel_loop3A_191 : i32
      %parallel_loop3A_193 = arith.index_cast %parallel_loop3A_192 : i32 to index
      %parallel_loop3A_194 = tpu.vector_load %arg10[%parallel_loop3A_193] {strides = array<i32>} : memref<800xi32, #tpu.memory_space<vmem>>, vector<16xi32>,
      %parallel_loop3A_195 = arith.constant 16 : i32
      %parallel_loop3A_196 = arith.muli %parallel_loop3A_185, %parallel_loop3A_195 : i32
      %parallel_loop3A_197 = arith.index_cast %parallel_loop3A_196 : i32 to index
      %parallel_loop3A_198 = tpu.vector_load %arg11[%parallel_loop3A_197] {strides = array<i32>} : memref<800xi32, #tpu.memory_space<vmem>>, vector<16xi32>,
      %parallel_loop3A_199 = tpu.vector_load_idx %arg14[%parallel_loop3A_190] : memref<1000xf32, #tpu.memory_space<vmem>>[vector<16xi32>], vector<16xf32>,
      %parallel_loop3A_200 = arith.constant 7 : i32
      %parallel_loop3A_201 = vector.broadcast %parallel_loop3A_200 : i32 to vector<16xi32>
      %parallel_loop3A_202 = arith.andi %parallel_loop3A_194, %parallel_loop3A_201 : vector<16xi32>
      %parallel_loop3A_203 = tpu.vector_load_idx %arg13[%parallel_loop3A_198, %parallel_loop3A_202] : memref<800x8xf32, #tpu.memory_space<vmem>>[vector<16xi32>, vector<16xi32>], vector<16xf32>,
      %parallel_loop3A_204 = arith.subf %parallel_loop3A_199, %parallel_loop3A_203 : vector<16xf32>
      %parallel_loop3A_205 = arith.addf %parallel_loop3A_186, %parallel_loop3A_204 : vector<16xf32>
      scf.yield %parallel_loop3A_205 : vector<16xf32>
    } {sc.loop_unroll_factor = 4 : i64, sc.parallel_access}
    %swap3A = arith.constant 0 : index
    %swap3A_184 = tpu.vector_load %arg15[%swap3A] {strides = array<i32>} : memref<16xf32, #tpu.memory_space<vmem>>, vector<16xf32>,
    tpu.vector_store %arg15[%swap3A], %parallel_loop3A_183 {strides = array<i32>} : memref<16xf32, #tpu.memory_space<vmem>>, vector<16xf32>,
    "tpu.region"() ({
      %run_scoped3A = tpu.sem_alloc : memref<!tpu.dma_semaphore, #tpu.memory_space<semaphore_mem>>
      %dma_start3A_185 = arith.constant 0 : i32
      %dma_start3A_186 = tpu.memref_slice %arg8[%add3A, %dma_start3A_185] : memref<32x16xf32, #tpu.memory_space<hbm>> -> memref<1x16xf32, #tpu.memory_space<hbm>>
      %dma_start3A_187 = tpu.memref_squeeze %dma_start3A_186 : memref<1x16xf32, #tpu.memory_space<hbm>> -> memref<16xf32, #tpu.memory_space<hbm>>
      %dma_start3A_188 = arith.constant 0 : i32
      %dma_start3A_189 = tpu.memref_slice %arg8[%add3A, %dma_start3A_188] : memref<32x16xf32, #tpu.memory_space<hbm>> -> memref<1x16xf32, #tpu.memory_space<hbm>>
      %dma_start3A_190 = tpu.memref_squeeze %dma_start3A_189 : memref<1x16xf32, #tpu.memory_space<hbm>> -> memref<16xf32, #tpu.memory_space<hbm>>
      tpu.enqueue_dma source(%arg15 : memref<16xf32, #tpu.memory_space<vmem>>) target(%dma_start3A_190 : memref<16xf32, #tpu.memory_space<hbm>>) target_semaphore(%run_scoped3A : memref<!tpu.dma_semaphore, #tpu.memory_space<semaphore_mem>>)
      %dma_wait3A_191 = arith.constant 0 : i32
      %dma_wait3A_192 = tpu.memref_slice %arg8[%add3A, %dma_wait3A_191] : memref<32x16xf32, #tpu.memory_space<hbm>> -> memref<1x16xf32, #tpu.memory_space<hbm>>
      %dma_wait3A_193 = tpu.memref_squeeze %dma_wait3A_192 : memref<1x16xf32, #tpu.memory_space<hbm>> -> memref<16xf32, #tpu.memory_space<hbm>>
      %dma_wait3A_194 = arith.constant 0 : i32
      %dma_wait3A_195 = tpu.memref_slice %arg8[%add3A, %dma_wait3A_194] : memref<32x16xf32, #tpu.memory_space<hbm>> -> memref<1x16xf32, #tpu.memory_space<hbm>>
      %dma_wait3A_196 = tpu.memref_squeeze %dma_wait3A_195 : memref<1x16xf32, #tpu.memory_space<hbm>> -> memref<16xf32, #tpu.memory_space<hbm>>
      tpu.wait_dma2 semaphore(%run_scoped3A : memref<!tpu.dma_semaphore, #tpu.memory_space<semaphore_mem>>) src(%arg15 : memref<16xf32, #tpu.memory_space<vmem>>) dst(%dma_wait3A_196 : memref<16xf32, #tpu.memory_space<hbm>>)
      tpu.yield
    }) : () -> ()
    return
  }
}

#map = affine_map<(d0, d1) -> (0, 0)>
#map1 = affine_map<(d0, d1) -> (0)>
#map2 = affine_map<(d0, d1) -> (0, 0, 0, 0)>
module attributes {stable_mosaic.version = 14 : i64} {
  func.func @gather_kernel(%arg0: i32, %arg1: i32, %arg2: memref<125000x8xf32, #tpu.memory_space<hbm>>, %arg3: memref<25600xi32, #tpu.memory_space<hbm>>, %arg4: memref<1008xi32, #tpu.memory_space<hbm>>, %arg5: memref<125x200x8x128xf32, #tpu.memory_space<hbm>>, %arg6: memref<25600xi32, #tpu.memory_space<vmem>>, %arg7: memref<1008xi32, #tpu.memory_space<vmem>>, %arg8: memref<1008xi32, #tpu.memory_space<vmem>>, %arg9: memref<1008x8xf32, #tpu.memory_space<vmem>>, %arg10: memref<2x10x8x128xf32, #tpu.memory_space<vmem>>, %arg11: memref<!tpu.dma_semaphore, #tpu.memory_space<semaphore_mem>>, %arg12: memref<!tpu.dma_semaphore, #tpu.memory_space<semaphore_mem>>) attributes {dimension_semantics = [#tpu.dimension_semantics<core_parallel>, #tpu.dimension_semantics<subcore_parallel>], iteration_bounds = array<i64: 2, 16>, scalar_prefetch = 0 : i64, scratch_operands = 7 : i64, tpu.core_type = #tpu.core_type<sc_vector_subcore>, window_params = [{transform_indices = #map}, {transform_indices = #map1}, {transform_indices = #map1}, {transform_indices = #map2}]} {
    %mul3A = arith.constant 2 : i32
    %mul3A_0 = arith.muli %arg1, %mul3A : i32
    %add3A = arith.addi %mul3A_0, %arg0 : i32
    tpu.enqueue_dma source(%arg4 : memref<1008xi32, #tpu.memory_space<hbm>>) target(%arg7 : memref<1008xi32, #tpu.memory_space<vmem>>) target_semaphore(%arg12 : memref<!tpu.dma_semaphore, #tpu.memory_space<semaphore_mem>>)
    tpu.enqueue_dma source(%arg3 : memref<25600xi32, #tpu.memory_space<hbm>>) target(%arg6 : memref<25600xi32, #tpu.memory_space<vmem>>) target_semaphore(%arg12 : memref<!tpu.dma_semaphore, #tpu.memory_space<semaphore_mem>>)
    tpu.wait_dma2 semaphore(%arg12 : memref<!tpu.dma_semaphore, #tpu.memory_space<semaphore_mem>>) src(%arg4 : memref<1008xi32, #tpu.memory_space<hbm>>) dst(%arg7 : memref<1008xi32, #tpu.memory_space<vmem>>)
    tpu.wait_dma2 semaphore(%arg12 : memref<!tpu.dma_semaphore, #tpu.memory_space<semaphore_mem>>) src(%arg3 : memref<25600xi32, #tpu.memory_space<hbm>>) dst(%arg6 : memref<25600xi32, #tpu.memory_space<vmem>>)
    %mul3A_1 = arith.constant 125 : i32
    %mul3A_2 = arith.muli %mul3A_1, %add3A : i32
    %jit3A = arith.constant 32 : i32
    %div3A = arith.divsi %mul3A_2, %jit3A : i32
    %sign3A = arith.constant 0 : i32
    %sign3A_3 = arith.cmpi sgt, %mul3A_2, %sign3A : i32
    %sign3A_4 = arith.extui %sign3A_3 : i1 to i32
    %sign3A_5 = arith.constant 0 : i32
    %sign3A_6 = arith.cmpi slt, %mul3A_2, %sign3A_5 : i32
    %sign3A_7 = arith.extui %sign3A_6 : i1 to i32
    %sign3A_8 = arith.subi %sign3A_4, %sign3A_7 : i32
    %sign3A_9 = arith.constant 0 : i32
    %sign3A_10 = arith.cmpi sgt, %jit3A, %sign3A_9 : i32
    %sign3A_11 = arith.extui %sign3A_10 : i1 to i32
    %sign3A_12 = arith.constant 0 : i32
    %sign3A_13 = arith.cmpi slt, %jit3A, %sign3A_12 : i32
    %sign3A_14 = arith.extui %sign3A_13 : i1 to i32
    %sign3A_15 = arith.subi %sign3A_11, %sign3A_14 : i32
    %ne3A = arith.cmpi ne, %sign3A_8, %sign3A_15 : i32
    %rem3A = arith.remsi %mul3A_2, %jit3A : i32
    %ne3A_16 = arith.constant 0 : i32
    %ne3A_17 = arith.cmpi ne, %rem3A, %ne3A_16 : i32
    %and3A = arith.andi %ne3A, %ne3A_17 : i1
    %sub3A = arith.constant 1 : i32
    %sub3A_18 = arith.subi %div3A, %sub3A : i32
    %select_n3A = arith.select %and3A, %sub3A_18, %div3A : i32
    %add3A_19 = arith.constant 1 : i32
    %add3A_20 = arith.addi %add3A, %add3A_19 : i32
    %mul3A_21 = arith.constant 125 : i32
    %mul3A_22 = arith.muli %mul3A_21, %add3A_20 : i32
    %jit3A_23 = arith.constant 32 : i32
    %div3A_24 = arith.divsi %mul3A_22, %jit3A_23 : i32
    %sign3A_25 = arith.constant 0 : i32
    %sign3A_26 = arith.cmpi sgt, %mul3A_22, %sign3A_25 : i32
    %sign3A_27 = arith.extui %sign3A_26 : i1 to i32
    %sign3A_28 = arith.constant 0 : i32
    %sign3A_29 = arith.cmpi slt, %mul3A_22, %sign3A_28 : i32
    %sign3A_30 = arith.extui %sign3A_29 : i1 to i32
    %sign3A_31 = arith.subi %sign3A_27, %sign3A_30 : i32
    %sign3A_32 = arith.constant 0 : i32
    %sign3A_33 = arith.cmpi sgt, %jit3A_23, %sign3A_32 : i32
    %sign3A_34 = arith.extui %sign3A_33 : i1 to i32
    %sign3A_35 = arith.constant 0 : i32
    %sign3A_36 = arith.cmpi slt, %jit3A_23, %sign3A_35 : i32
    %sign3A_37 = arith.extui %sign3A_36 : i1 to i32
    %sign3A_38 = arith.subi %sign3A_34, %sign3A_37 : i32
    %ne3A_39 = arith.cmpi ne, %sign3A_31, %sign3A_38 : i32
    %rem3A_40 = arith.remsi %mul3A_22, %jit3A_23 : i32
    %ne3A_41 = arith.constant 0 : i32
    %ne3A_42 = arith.cmpi ne, %rem3A_40, %ne3A_41 : i32
    %and3A_43 = arith.andi %ne3A_39, %ne3A_42 : i1
    %sub3A_44 = arith.constant 1 : i32
    %sub3A_45 = arith.subi %div3A_24, %sub3A_44 : i32
    %select_n3A_46 = arith.select %and3A_43, %sub3A_45, %div3A_24 : i32
    %while3A = arith.constant 0 : i32
    %while3A_47 = arith.subi %select_n3A_46, %select_n3A : i32
    %while3A_48 = arith.addi %select_n3A, %while3A_47 : i32
    %while3A_49 = arith.constant 1 : i32
    %while3A_50 = arith.divsi %while3A_47, %while3A_49 : i32
    %while3A_51 = arith.muli %while3A_50, %while3A_49 : i32
    %while3A_52 = arith.addi %select_n3A, %while3A_51 : i32
    %while3A_53 = arith.constant 1 : i32
    scf.for %while3A_75 = %select_n3A to %while3A_52 step %while3A_53  : i32 {
      %parallel_loop3A = arith.constant 0 : i32
      %parallel_loop3A_76 = arith.constant 63 : i32
      %parallel_loop3A_77 = arith.constant 1 : i32
      scf.for %parallel_loop3A_83 = %parallel_loop3A to %parallel_loop3A_76 step %parallel_loop3A_77  : i32 {
        %parallel_loop3A_84 = arith.constant 16 : i32
        %parallel_loop3A_85 = arith.muli %parallel_loop3A_83, %parallel_loop3A_84 : i32
        %parallel_loop3A_86 = arith.index_cast %parallel_loop3A_85 : i32 to index
        %parallel_loop3A_87 = tpu.vector_load %arg7[%parallel_loop3A_86] {strides = array<i32>} : memref<1008xi32, #tpu.memory_space<vmem>>, vector<16xi32>,
        %parallel_loop3A_88 = arith.constant 125 : i32
        %parallel_loop3A_89 = vector.broadcast %parallel_loop3A_88 : i32 to vector<16xi32>
        %parallel_loop3A_90 = arith.muli %parallel_loop3A_87, %parallel_loop3A_89 : vector<16xi32>
        %parallel_loop3A_91 = vector.broadcast %while3A_75 : i32 to vector<16xi32>
        %parallel_loop3A_92 = arith.addi %parallel_loop3A_90, %parallel_loop3A_91 : vector<16xi32>
        %parallel_loop3A_93 = arith.constant 16 : i32
        %parallel_loop3A_94 = arith.muli %parallel_loop3A_83, %parallel_loop3A_93 : i32
        %parallel_loop3A_95 = arith.index_cast %parallel_loop3A_94 : i32 to index
        %parallel_loop3A_96 = tpu.vector_load %arg8[%parallel_loop3A_95] {strides = array<i32>} : memref<1008xi32, #tpu.memory_space<vmem>>, vector<16xi32>,
        tpu.vector_store %arg8[%parallel_loop3A_95], %parallel_loop3A_92 {strides = array<i32>} : memref<1008xi32, #tpu.memory_space<vmem>>, vector<16xi32>,
      } {sc.loop_unroll_factor = 4 : i64, sc.parallel_access}
      "tpu.region"() ({
        %run_scoped3A = tpu.sem_alloc : memref<!tpu.dma_semaphore, #tpu.memory_space<semaphore_mem>>
        %dma_start3A = arith.constant 0 : i32
        %dma_start3A_83 = arith.constant 0 : i32
        %dma_start3A_84 = tpu.memref_slice %arg2[%dma_start3A, %dma_start3A_83] : memref<125000x8xf32, #tpu.memory_space<hbm>> -> memref<125000x8xf32, #tpu.memory_space<hbm>>
        tpu.enqueue_indirect_dma source(%dma_start3A_84 : memref<125000x8xf32, #tpu.memory_space<hbm>>) target(%arg9 : memref<1008x8xf32, #tpu.memory_space<vmem>>) offsets(%arg8 : memref<1008xi32, #tpu.memory_space<vmem>>) semaphore(%run_scoped3A : memref<!tpu.dma_semaphore, #tpu.memory_space<semaphore_mem>>)
        %dma_wait3A_85 = arith.constant 0 : i32
        %dma_wait3A_86 = arith.constant 0 : i32
        %dma_wait3A_87 = tpu.memref_slice %arg2[%dma_wait3A_85, %dma_wait3A_86] : memref<125000x8xf32, #tpu.memory_space<hbm>> -> memref<125000x8xf32, #tpu.memory_space<hbm>>
        tpu.wait_indirect_dma semaphore(%run_scoped3A : memref<!tpu.dma_semaphore, #tpu.memory_space<semaphore_mem>>) src(%dma_wait3A_87 : memref<125000x8xf32, #tpu.memory_space<hbm>>) dst(%arg9 : memref<1008x8xf32, #tpu.memory_space<vmem>>)
        tpu.yield
      }) : () -> ()
      %scan3A = arith.constant 0 : i32
      %scan3A_78 = arith.constant 0 : i32
      %scan3A_79 = arith.constant 20 : i32
      %scan3A_80 = arith.addi %scan3A_78, %scan3A_79 : i32
      %scan3A_81 = arith.constant 1 : i32
      scf.for %scan3A_83 = %scan3A_78 to %scan3A_80 step %scan3A_81  : i32 {
        %rem3A_84 = arith.constant 2 : i32
        %rem3A_85 = arith.remsi %scan3A_83, %rem3A_84 : i32
        %parallel_loop3A_86 = arith.constant 0 : i32
        %parallel_loop3A_87 = arith.constant 80 : i32
        %parallel_loop3A_88 = arith.constant 1 : i32
        scf.for %parallel_loop3A_111 = %parallel_loop3A_86 to %parallel_loop3A_87 step %parallel_loop3A_88  : i32 {
          %parallel_loop3A_112 = arith.constant 8 : i32
          %parallel_loop3A_113 = arith.divsi %parallel_loop3A_111, %parallel_loop3A_112 : i32
          %parallel_loop3A_114 = arith.constant 0 : i32
          %parallel_loop3A_115 = arith.cmpi sgt, %parallel_loop3A_111, %parallel_loop3A_114 : i32
          %parallel_loop3A_116 = arith.extui %parallel_loop3A_115 : i1 to i32
          %parallel_loop3A_117 = arith.constant 0 : i32
          %parallel_loop3A_118 = arith.cmpi slt, %parallel_loop3A_111, %parallel_loop3A_117 : i32
          %parallel_loop3A_119 = arith.extui %parallel_loop3A_118 : i1 to i32
          %parallel_loop3A_120 = arith.subi %parallel_loop3A_116, %parallel_loop3A_119 : i32
          %parallel_loop3A_121 = arith.constant 0 : i32
          %parallel_loop3A_122 = arith.cmpi sgt, %parallel_loop3A_112, %parallel_loop3A_121 : i32
          %parallel_loop3A_123 = arith.extui %parallel_loop3A_122 : i1 to i32
          %parallel_loop3A_124 = arith.constant 0 : i32
          %parallel_loop3A_125 = arith.cmpi slt, %parallel_loop3A_112, %parallel_loop3A_124 : i32
          %parallel_loop3A_126 = arith.extui %parallel_loop3A_125 : i1 to i32
          %parallel_loop3A_127 = arith.subi %parallel_loop3A_123, %parallel_loop3A_126 : i32
          %parallel_loop3A_128 = arith.cmpi ne, %parallel_loop3A_120, %parallel_loop3A_127 : i32
          %parallel_loop3A_129 = arith.remsi %parallel_loop3A_111, %parallel_loop3A_112 : i32
          %parallel_loop3A_130 = arith.constant 0 : i32
          %parallel_loop3A_131 = arith.cmpi ne, %parallel_loop3A_129, %parallel_loop3A_130 : i32
          %parallel_loop3A_132 = arith.andi %parallel_loop3A_128, %parallel_loop3A_131 : i1
          %parallel_loop3A_133 = arith.constant 1 : i32
          %parallel_loop3A_134 = arith.subi %parallel_loop3A_113, %parallel_loop3A_133 : i32
          %parallel_loop3A_135 = arith.select %parallel_loop3A_132, %parallel_loop3A_134, %parallel_loop3A_113 : i32
          %parallel_loop3A_136 = arith.constant 8 : i32
          %parallel_loop3A_137 = arith.remsi %parallel_loop3A_111, %parallel_loop3A_136 : i32
          %parallel_loop3A_138 = arith.constant 10 : i32
          %parallel_loop3A_139 = arith.muli %scan3A_83, %parallel_loop3A_138 : i32
          %parallel_loop3A_140 = arith.addi %parallel_loop3A_139, %parallel_loop3A_135 : i32
          %parallel_loop3A_141 = arith.constant 128 : i32
          %parallel_loop3A_142 = arith.muli %parallel_loop3A_140, %parallel_loop3A_141 : i32
          %parallel_loop3A_143 = arith.constant 16 : i32
          %parallel_loop3A_144 = arith.muli %parallel_loop3A_137, %parallel_loop3A_143 : i32
          %parallel_loop3A_145 = arith.addi %parallel_loop3A_142, %parallel_loop3A_144 : i32
          %parallel_loop3A_146 = arith.index_cast %parallel_loop3A_145 : i32 to index
          %parallel_loop3A_147 = tpu.vector_load %arg6[%parallel_loop3A_146] {strides = array<i32>} : memref<25600xi32, #tpu.memory_space<vmem>>, vector<16xi32>,
          %parallel_loop3A_148 = arith.constant 0 : i32
          %parallel_loop3A_149 = vector.broadcast %parallel_loop3A_148 : i32 to vector<16xi32>
          %parallel_loop3A_150 = tpu.vector_load_idx %arg9[%parallel_loop3A_147, %parallel_loop3A_149] : memref<1008x8xf32, #tpu.memory_space<vmem>>[vector<16xi32>, vector<16xi32>], vector<16xf32>,
          %parallel_loop3A_151 = arith.constant 16 : i32
          %parallel_loop3A_152 = arith.muli %parallel_loop3A_137, %parallel_loop3A_151 : i32
          %parallel_loop3A_153 = arith.constant 0 : i32
          %parallel_loop3A_154 = arith.index_cast %rem3A_85 : i32 to index
          %parallel_loop3A_155 = arith.index_cast %parallel_loop3A_135 : i32 to index
          %parallel_loop3A_156 = arith.index_cast %parallel_loop3A_153 : i32 to index
          %parallel_loop3A_157 = arith.index_cast %parallel_loop3A_152 : i32 to index
          %parallel_loop3A_158 = tpu.vector_load %arg10[%parallel_loop3A_154, %parallel_loop3A_155, %parallel_loop3A_156, %parallel_loop3A_157] {strides = array<i32>} : memref<2x10x8x128xf32, #tpu.memory_space<vmem>>, vector<16xf32>,
          tpu.vector_store %arg10[%parallel_loop3A_154, %parallel_loop3A_155, %parallel_loop3A_156, %parallel_loop3A_157], %parallel_loop3A_150 {strides = array<i32>} : memref<2x10x8x128xf32, #tpu.memory_space<vmem>>, vector<16xf32>,
          %parallel_loop3A_159 = arith.constant 1 : i32
          %parallel_loop3A_160 = vector.broadcast %parallel_loop3A_159 : i32 to vector<16xi32>
          %parallel_loop3A_161 = tpu.vector_load_idx %arg9[%parallel_loop3A_147, %parallel_loop3A_160] : memref<1008x8xf32, #tpu.memory_space<vmem>>[vector<16xi32>, vector<16xi32>], vector<16xf32>,
          %parallel_loop3A_162 = arith.constant 16 : i32
          %parallel_loop3A_163 = arith.muli %parallel_loop3A_137, %parallel_loop3A_162 : i32
          %parallel_loop3A_164 = arith.constant 1 : i32
          %parallel_loop3A_165 = arith.index_cast %rem3A_85 : i32 to index
          %parallel_loop3A_166 = arith.index_cast %parallel_loop3A_135 : i32 to index
          %parallel_loop3A_167 = arith.index_cast %parallel_loop3A_164 : i32 to index
          %parallel_loop3A_168 = arith.index_cast %parallel_loop3A_163 : i32 to index
          %parallel_loop3A_169 = tpu.vector_load %arg10[%parallel_loop3A_165, %parallel_loop3A_166, %parallel_loop3A_167, %parallel_loop3A_168] {strides = array<i32>} : memref<2x10x8x128xf32, #tpu.memory_space<vmem>>, vector<16xf32>,
          tpu.vector_store %arg10[%parallel_loop3A_165, %parallel_loop3A_166, %parallel_loop3A_167, %parallel_loop3A_168], %parallel_loop3A_161 {strides = array<i32>} : memref<2x10x8x128xf32, #tpu.memory_space<vmem>>, vector<16xf32>,
          %parallel_loop3A_170 = arith.constant 2 : i32
          %parallel_loop3A_171 = vector.broadcast %parallel_loop3A_170 : i32 to vector<16xi32>
          %parallel_loop3A_172 = tpu.vector_load_idx %arg9[%parallel_loop3A_147, %parallel_loop3A_171] : memref<1008x8xf32, #tpu.memory_space<vmem>>[vector<16xi32>, vector<16xi32>], vector<16xf32>,
          %parallel_loop3A_173 = arith.constant 16 : i32
          %parallel_loop3A_174 = arith.muli %parallel_loop3A_137, %parallel_loop3A_173 : i32
          %parallel_loop3A_175 = arith.constant 2 : i32
          %parallel_loop3A_176 = arith.index_cast %rem3A_85 : i32 to index
          %parallel_loop3A_177 = arith.index_cast %parallel_loop3A_135 : i32 to index
          %parallel_loop3A_178 = arith.index_cast %parallel_loop3A_175 : i32 to index
          %parallel_loop3A_179 = arith.index_cast %parallel_loop3A_174 : i32 to index
          %parallel_loop3A_180 = tpu.vector_load %arg10[%parallel_loop3A_176, %parallel_loop3A_177, %parallel_loop3A_178, %parallel_loop3A_179] {strides = array<i32>} : memref<2x10x8x128xf32, #tpu.memory_space<vmem>>, vector<16xf32>,
          tpu.vector_store %arg10[%parallel_loop3A_176, %parallel_loop3A_177, %parallel_loop3A_178, %parallel_loop3A_179], %parallel_loop3A_172 {strides = array<i32>} : memref<2x10x8x128xf32, #tpu.memory_space<vmem>>, vector<16xf32>,
          %parallel_loop3A_181 = arith.constant 3 : i32
          %parallel_loop3A_182 = vector.broadcast %parallel_loop3A_181 : i32 to vector<16xi32>
          %parallel_loop3A_183 = tpu.vector_load_idx %arg9[%parallel_loop3A_147, %parallel_loop3A_182] : memref<1008x8xf32, #tpu.memory_space<vmem>>[vector<16xi32>, vector<16xi32>], vector<16xf32>,
          %parallel_loop3A_184 = arith.constant 16 : i32
          %parallel_loop3A_185 = arith.muli %parallel_loop3A_137, %parallel_loop3A_184 : i32
          %parallel_loop3A_186 = arith.constant 3 : i32
          %parallel_loop3A_187 = arith.index_cast %rem3A_85 : i32 to index
          %parallel_loop3A_188 = arith.index_cast %parallel_loop3A_135 : i32 to index
          %parallel_loop3A_189 = arith.index_cast %parallel_loop3A_186 : i32 to index
          %parallel_loop3A_190 = arith.index_cast %parallel_loop3A_185 : i32 to index
          %parallel_loop3A_191 = tpu.vector_load %arg10[%parallel_loop3A_187, %parallel_loop3A_188, %parallel_loop3A_189, %parallel_loop3A_190] {strides = array<i32>} : memref<2x10x8x128xf32, #tpu.memory_space<vmem>>, vector<16xf32>,
          tpu.vector_store %arg10[%parallel_loop3A_187, %parallel_loop3A_188, %parallel_loop3A_189, %parallel_loop3A_190], %parallel_loop3A_183 {strides = array<i32>} : memref<2x10x8x128xf32, #tpu.memory_space<vmem>>, vector<16xf32>,
          %parallel_loop3A_192 = arith.constant 4 : i32
          %parallel_loop3A_193 = vector.broadcast %parallel_loop3A_192 : i32 to vector<16xi32>
          %parallel_loop3A_194 = tpu.vector_load_idx %arg9[%parallel_loop3A_147, %parallel_loop3A_193] : memref<1008x8xf32, #tpu.memory_space<vmem>>[vector<16xi32>, vector<16xi32>], vector<16xf32>,
          %parallel_loop3A_195 = arith.constant 16 : i32
          %parallel_loop3A_196 = arith.muli %parallel_loop3A_137, %parallel_loop3A_195 : i32
          %parallel_loop3A_197 = arith.constant 4 : i32
          %parallel_loop3A_198 = arith.index_cast %rem3A_85 : i32 to index
          %parallel_loop3A_199 = arith.index_cast %parallel_loop3A_135 : i32 to index
          %parallel_loop3A_200 = arith.index_cast %parallel_loop3A_197 : i32 to index
          %parallel_loop3A_201 = arith.index_cast %parallel_loop3A_196 : i32 to index
          %parallel_loop3A_202 = tpu.vector_load %arg10[%parallel_loop3A_198, %parallel_loop3A_199, %parallel_loop3A_200, %parallel_loop3A_201] {strides = array<i32>} : memref<2x10x8x128xf32, #tpu.memory_space<vmem>>, vector<16xf32>,
          tpu.vector_store %arg10[%parallel_loop3A_198, %parallel_loop3A_199, %parallel_loop3A_200, %parallel_loop3A_201], %parallel_loop3A_194 {strides = array<i32>} : memref<2x10x8x128xf32, #tpu.memory_space<vmem>>, vector<16xf32>,
          %parallel_loop3A_203 = arith.constant 5 : i32
          %parallel_loop3A_204 = vector.broadcast %parallel_loop3A_203 : i32 to vector<16xi32>
          %parallel_loop3A_205 = tpu.vector_load_idx %arg9[%parallel_loop3A_147, %parallel_loop3A_204] : memref<1008x8xf32, #tpu.memory_space<vmem>>[vector<16xi32>, vector<16xi32>], vector<16xf32>,
          %parallel_loop3A_206 = arith.constant 16 : i32
          %parallel_loop3A_207 = arith.muli %parallel_loop3A_137, %parallel_loop3A_206 : i32
          %parallel_loop3A_208 = arith.constant 5 : i32
          %parallel_loop3A_209 = arith.index_cast %rem3A_85 : i32 to index
          %parallel_loop3A_210 = arith.index_cast %parallel_loop3A_135 : i32 to index
          %parallel_loop3A_211 = arith.index_cast %parallel_loop3A_208 : i32 to index
          %parallel_loop3A_212 = arith.index_cast %parallel_loop3A_207 : i32 to index
          %parallel_loop3A_213 = tpu.vector_load %arg10[%parallel_loop3A_209, %parallel_loop3A_210, %parallel_loop3A_211, %parallel_loop3A_212] {strides = array<i32>} : memref<2x10x8x128xf32, #tpu.memory_space<vmem>>, vector<16xf32>,
          tpu.vector_store %arg10[%parallel_loop3A_209, %parallel_loop3A_210, %parallel_loop3A_211, %parallel_loop3A_212], %parallel_loop3A_205 {strides = array<i32>} : memref<2x10x8x128xf32, #tpu.memory_space<vmem>>, vector<16xf32>,
          %parallel_loop3A_214 = arith.constant 6 : i32
          %parallel_loop3A_215 = vector.broadcast %parallel_loop3A_214 : i32 to vector<16xi32>
          %parallel_loop3A_216 = tpu.vector_load_idx %arg9[%parallel_loop3A_147, %parallel_loop3A_215] : memref<1008x8xf32, #tpu.memory_space<vmem>>[vector<16xi32>, vector<16xi32>], vector<16xf32>,
          %parallel_loop3A_217 = arith.constant 16 : i32
          %parallel_loop3A_218 = arith.muli %parallel_loop3A_137, %parallel_loop3A_217 : i32
          %parallel_loop3A_219 = arith.constant 6 : i32
          %parallel_loop3A_220 = arith.index_cast %rem3A_85 : i32 to index
          %parallel_loop3A_221 = arith.index_cast %parallel_loop3A_135 : i32 to index
          %parallel_loop3A_222 = arith.index_cast %parallel_loop3A_219 : i32 to index
          %parallel_loop3A_223 = arith.index_cast %parallel_loop3A_218 : i32 to index
          %parallel_loop3A_224 = tpu.vector_load %arg10[%parallel_loop3A_220, %parallel_loop3A_221, %parallel_loop3A_222, %parallel_loop3A_223] {strides = array<i32>} : memref<2x10x8x128xf32, #tpu.memory_space<vmem>>, vector<16xf32>,
          tpu.vector_store %arg10[%parallel_loop3A_220, %parallel_loop3A_221, %parallel_loop3A_222, %parallel_loop3A_223], %parallel_loop3A_216 {strides = array<i32>} : memref<2x10x8x128xf32, #tpu.memory_space<vmem>>, vector<16xf32>,
          %parallel_loop3A_225 = arith.constant 7 : i32
          %parallel_loop3A_226 = vector.broadcast %parallel_loop3A_225 : i32 to vector<16xi32>
          %parallel_loop3A_227 = tpu.vector_load_idx %arg9[%parallel_loop3A_147, %parallel_loop3A_226] : memref<1008x8xf32, #tpu.memory_space<vmem>>[vector<16xi32>, vector<16xi32>], vector<16xf32>,
          %parallel_loop3A_228 = arith.constant 16 : i32
          %parallel_loop3A_229 = arith.muli %parallel_loop3A_137, %parallel_loop3A_228 : i32
          %parallel_loop3A_230 = arith.constant 7 : i32
          %parallel_loop3A_231 = arith.index_cast %rem3A_85 : i32 to index
          %parallel_loop3A_232 = arith.index_cast %parallel_loop3A_135 : i32 to index
          %parallel_loop3A_233 = arith.index_cast %parallel_loop3A_230 : i32 to index
          %parallel_loop3A_234 = arith.index_cast %parallel_loop3A_229 : i32 to index
          %parallel_loop3A_235 = tpu.vector_load %arg10[%parallel_loop3A_231, %parallel_loop3A_232, %parallel_loop3A_233, %parallel_loop3A_234] {strides = array<i32>} : memref<2x10x8x128xf32, #tpu.memory_space<vmem>>, vector<16xf32>,
          tpu.vector_store %arg10[%parallel_loop3A_231, %parallel_loop3A_232, %parallel_loop3A_233, %parallel_loop3A_234], %parallel_loop3A_227 {strides = array<i32>} : memref<2x10x8x128xf32, #tpu.memory_space<vmem>>, vector<16xf32>,
        } {sc.loop_unroll_factor = 8 : i64, sc.parallel_access}
        %mul3A_89 = arith.constant 10 : i32
        %mul3A_90 = arith.muli %scan3A_83, %mul3A_89 : i32
        %gt3A = arith.cmpi sgt, %while3A_75, %select_n3A : i32
        %gt3A_91 = arith.constant 0 : i32
        %gt3A_92 = arith.cmpi sgt, %scan3A_83, %gt3A_91 : i32
        %or3A = arith.ori %gt3A, %gt3A_92 : i1
        %convert_element_type3A = arith.extui %or3A : i1 to i32
        %cond3A = arith.constant 0 : i32
        %cond3A_93 = arith.cmpi ne, %convert_element_type3A, %cond3A : i32
        scf.if %cond3A_93 {
          %dma_wait3A_111 = arith.constant 0 : i32
          %dma_wait3A_112 = arith.constant 0 : i32
          %dma_wait3A_113 = arith.constant 0 : i32
          %dma_wait3A_114 = tpu.memref_slice %arg10[%rem3A_85, %dma_wait3A_111, %dma_wait3A_112, %dma_wait3A_113] : memref<2x10x8x128xf32, #tpu.memory_space<vmem>> -> memref<1x10x8x128xf32, #tpu.memory_space<vmem>>
          %dma_wait3A_115 = tpu.memref_squeeze %dma_wait3A_114 : memref<1x10x8x128xf32, #tpu.memory_space<vmem>> -> memref<10x8x128xf32, #tpu.memory_space<vmem>>
          %dma_wait3A_116 = arith.constant 0 : i32
          %dma_wait3A_117 = arith.constant 0 : i32
          %dma_wait3A_118 = tpu.memref_slice %arg5[%while3A_75, %mul3A_90, %dma_wait3A_116, %dma_wait3A_117] : memref<125x200x8x128xf32, #tpu.memory_space<hbm>> -> memref<1x10x8x128xf32, #tpu.memory_space<hbm>>
          %dma_wait3A_119 = tpu.memref_squeeze %dma_wait3A_118 : memref<1x10x8x128xf32, #tpu.memory_space<hbm>> -> memref<10x8x128xf32, #tpu.memory_space<hbm>>
          %dma_wait3A_120 = arith.constant 0 : i32
          %dma_wait3A_121 = arith.constant 0 : i32
          %dma_wait3A_122 = tpu.memref_slice %arg5[%while3A_75, %mul3A_90, %dma_wait3A_120, %dma_wait3A_121] : memref<125x200x8x128xf32, #tpu.memory_space<hbm>> -> memref<1x10x8x128xf32, #tpu.memory_space<hbm>>
          %dma_wait3A_123 = tpu.memref_squeeze %dma_wait3A_122 : memref<1x10x8x128xf32, #tpu.memory_space<hbm>> -> memref<10x8x128xf32, #tpu.memory_space<hbm>>
          %dma_wait3A_124 = arith.constant 0 : i32
          %dma_wait3A_125 = arith.constant 0 : i32
          %dma_wait3A_126 = arith.constant 0 : i32
          %dma_wait3A_127 = tpu.memref_slice %arg10[%rem3A_85, %dma_wait3A_124, %dma_wait3A_125, %dma_wait3A_126] : memref<2x10x8x128xf32, #tpu.memory_space<vmem>> -> memref<1x10x8x128xf32, #tpu.memory_space<vmem>>
          %dma_wait3A_128 = tpu.memref_squeeze %dma_wait3A_127 : memref<1x10x8x128xf32, #tpu.memory_space<vmem>> -> memref<10x8x128xf32, #tpu.memory_space<vmem>>
          tpu.wait_dma2 semaphore(%arg11 : memref<!tpu.dma_semaphore, #tpu.memory_space<semaphore_mem>>) src(%dma_wait3A_128 : memref<10x8x128xf32, #tpu.memory_space<vmem>>) dst(%dma_wait3A_123 : memref<10x8x128xf32, #tpu.memory_space<hbm>>)
        } else {
        }
        %dma_start3A = arith.constant 0 : i32
        %dma_start3A_94 = arith.constant 0 : i32
        %dma_start3A_95 = arith.constant 0 : i32
        %dma_start3A_96 = tpu.memref_slice %arg10[%rem3A_85, %dma_start3A, %dma_start3A_94, %dma_start3A_95] : memref<2x10x8x128xf32, #tpu.memory_space<vmem>> -> memref<1x10x8x128xf32, #tpu.memory_space<vmem>>
        %dma_start3A_97 = tpu.memref_squeeze %dma_start3A_96 : memref<1x10x8x128xf32, #tpu.memory_space<vmem>> -> memref<10x8x128xf32, #tpu.memory_space<vmem>>
        %dma_start3A_98 = arith.constant 0 : i32
        %dma_start3A_99 = arith.constant 0 : i32
        %dma_start3A_100 = tpu.memref_slice %arg5[%while3A_75, %mul3A_90, %dma_start3A_98, %dma_start3A_99] : memref<125x200x8x128xf32, #tpu.memory_space<hbm>> -> memref<1x10x8x128xf32, #tpu.memory_space<hbm>>
        %dma_start3A_101 = tpu.memref_squeeze %dma_start3A_100 : memref<1x10x8x128xf32, #tpu.memory_space<hbm>> -> memref<10x8x128xf32, #tpu.memory_space<hbm>>
        %dma_start3A_102 = arith.constant 0 : i32
        %dma_start3A_103 = arith.constant 0 : i32
        %dma_start3A_104 = tpu.memref_slice %arg5[%while3A_75, %mul3A_90, %dma_start3A_102, %dma_start3A_103] : memref<125x200x8x128xf32, #tpu.memory_space<hbm>> -> memref<1x10x8x128xf32, #tpu.memory_space<hbm>>
        %dma_start3A_105 = tpu.memref_squeeze %dma_start3A_104 : memref<1x10x8x128xf32, #tpu.memory_space<hbm>> -> memref<10x8x128xf32, #tpu.memory_space<hbm>>
        %dma_start3A_106 = arith.constant 0 : i32
        %dma_start3A_107 = arith.constant 0 : i32
        %dma_start3A_108 = arith.constant 0 : i32
        %dma_start3A_109 = tpu.memref_slice %arg10[%rem3A_85, %dma_start3A_106, %dma_start3A_107, %dma_start3A_108] : memref<2x10x8x128xf32, #tpu.memory_space<vmem>> -> memref<1x10x8x128xf32, #tpu.memory_space<vmem>>
        %dma_start3A_110 = tpu.memref_squeeze %dma_start3A_109 : memref<1x10x8x128xf32, #tpu.memory_space<vmem>> -> memref<10x8x128xf32, #tpu.memory_space<vmem>>
        tpu.enqueue_dma source(%dma_start3A_110 : memref<10x8x128xf32, #tpu.memory_space<vmem>>) target(%dma_start3A_105 : memref<10x8x128xf32, #tpu.memory_space<hbm>>) target_semaphore(%arg11 : memref<!tpu.dma_semaphore, #tpu.memory_space<semaphore_mem>>)
      }
      %scan3A_82 = arith.constant 20 : i32
    }
    %while3A_54 = arith.constant 1 : i32
    scf.for %while3A_75 = %while3A_52 to %while3A_48 step %while3A_54  : i32 {
      %parallel_loop3A = arith.constant 0 : i32
      %parallel_loop3A_76 = arith.constant 63 : i32
      %parallel_loop3A_77 = arith.constant 1 : i32
      scf.for %parallel_loop3A_83 = %parallel_loop3A to %parallel_loop3A_76 step %parallel_loop3A_77  : i32 {
        %parallel_loop3A_84 = arith.constant 16 : i32
        %parallel_loop3A_85 = arith.muli %parallel_loop3A_83, %parallel_loop3A_84 : i32
        %parallel_loop3A_86 = arith.index_cast %parallel_loop3A_85 : i32 to index
        %parallel_loop3A_87 = tpu.vector_load %arg7[%parallel_loop3A_86] {strides = array<i32>} : memref<1008xi32, #tpu.memory_space<vmem>>, vector<16xi32>,
        %parallel_loop3A_88 = arith.constant 125 : i32
        %parallel_loop3A_89 = vector.broadcast %parallel_loop3A_88 : i32 to vector<16xi32>
        %parallel_loop3A_90 = arith.muli %parallel_loop3A_87, %parallel_loop3A_89 : vector<16xi32>
        %parallel_loop3A_91 = vector.broadcast %while3A_75 : i32 to vector<16xi32>
        %parallel_loop3A_92 = arith.addi %parallel_loop3A_90, %parallel_loop3A_91 : vector<16xi32>
        %parallel_loop3A_93 = arith.constant 16 : i32
        %parallel_loop3A_94 = arith.muli %parallel_loop3A_83, %parallel_loop3A_93 : i32
        %parallel_loop3A_95 = arith.index_cast %parallel_loop3A_94 : i32 to index
        %parallel_loop3A_96 = tpu.vector_load %arg8[%parallel_loop3A_95] {strides = array<i32>} : memref<1008xi32, #tpu.memory_space<vmem>>, vector<16xi32>,
        tpu.vector_store %arg8[%parallel_loop3A_95], %parallel_loop3A_92 {strides = array<i32>} : memref<1008xi32, #tpu.memory_space<vmem>>, vector<16xi32>,
      } {sc.loop_unroll_factor = 4 : i64, sc.parallel_access}
      "tpu.region"() ({
        %run_scoped3A = tpu.sem_alloc : memref<!tpu.dma_semaphore, #tpu.memory_space<semaphore_mem>>
        %dma_start3A = arith.constant 0 : i32
        %dma_start3A_83 = arith.constant 0 : i32
        %dma_start3A_84 = tpu.memref_slice %arg2[%dma_start3A, %dma_start3A_83] : memref<125000x8xf32, #tpu.memory_space<hbm>> -> memref<125000x8xf32, #tpu.memory_space<hbm>>
        tpu.enqueue_indirect_dma source(%dma_start3A_84 : memref<125000x8xf32, #tpu.memory_space<hbm>>) target(%arg9 : memref<1008x8xf32, #tpu.memory_space<vmem>>) offsets(%arg8 : memref<1008xi32, #tpu.memory_space<vmem>>) semaphore(%run_scoped3A : memref<!tpu.dma_semaphore, #tpu.memory_space<semaphore_mem>>)
        %dma_wait3A_85 = arith.constant 0 : i32
        %dma_wait3A_86 = arith.constant 0 : i32
        %dma_wait3A_87 = tpu.memref_slice %arg2[%dma_wait3A_85, %dma_wait3A_86] : memref<125000x8xf32, #tpu.memory_space<hbm>> -> memref<125000x8xf32, #tpu.memory_space<hbm>>
        tpu.wait_indirect_dma semaphore(%run_scoped3A : memref<!tpu.dma_semaphore, #tpu.memory_space<semaphore_mem>>) src(%dma_wait3A_87 : memref<125000x8xf32, #tpu.memory_space<hbm>>) dst(%arg9 : memref<1008x8xf32, #tpu.memory_space<vmem>>)
        tpu.yield
      }) : () -> ()
      %scan3A = arith.constant 0 : i32
      %scan3A_78 = arith.constant 0 : i32
      %scan3A_79 = arith.constant 20 : i32
      %scan3A_80 = arith.addi %scan3A_78, %scan3A_79 : i32
      %scan3A_81 = arith.constant 1 : i32
      scf.for %scan3A_83 = %scan3A_78 to %scan3A_80 step %scan3A_81  : i32 {
        %rem3A_84 = arith.constant 2 : i32
        %rem3A_85 = arith.remsi %scan3A_83, %rem3A_84 : i32
        %parallel_loop3A_86 = arith.constant 0 : i32
        %parallel_loop3A_87 = arith.constant 80 : i32
        %parallel_loop3A_88 = arith.constant 1 : i32
        scf.for %parallel_loop3A_111 = %parallel_loop3A_86 to %parallel_loop3A_87 step %parallel_loop3A_88  : i32 {
          %parallel_loop3A_112 = arith.constant 8 : i32
          %parallel_loop3A_113 = arith.divsi %parallel_loop3A_111, %parallel_loop3A_112 : i32
          %parallel_loop3A_114 = arith.constant 0 : i32
          %parallel_loop3A_115 = arith.cmpi sgt, %parallel_loop3A_111, %parallel_loop3A_114 : i32
          %parallel_loop3A_116 = arith.extui %parallel_loop3A_115 : i1 to i32
          %parallel_loop3A_117 = arith.constant 0 : i32
          %parallel_loop3A_118 = arith.cmpi slt, %parallel_loop3A_111, %parallel_loop3A_117 : i32
          %parallel_loop3A_119 = arith.extui %parallel_loop3A_118 : i1 to i32
          %parallel_loop3A_120 = arith.subi %parallel_loop3A_116, %parallel_loop3A_119 : i32
          %parallel_loop3A_121 = arith.constant 0 : i32
          %parallel_loop3A_122 = arith.cmpi sgt, %parallel_loop3A_112, %parallel_loop3A_121 : i32
          %parallel_loop3A_123 = arith.extui %parallel_loop3A_122 : i1 to i32
          %parallel_loop3A_124 = arith.constant 0 : i32
          %parallel_loop3A_125 = arith.cmpi slt, %parallel_loop3A_112, %parallel_loop3A_124 : i32
          %parallel_loop3A_126 = arith.extui %parallel_loop3A_125 : i1 to i32
          %parallel_loop3A_127 = arith.subi %parallel_loop3A_123, %parallel_loop3A_126 : i32
          %parallel_loop3A_128 = arith.cmpi ne, %parallel_loop3A_120, %parallel_loop3A_127 : i32
          %parallel_loop3A_129 = arith.remsi %parallel_loop3A_111, %parallel_loop3A_112 : i32
          %parallel_loop3A_130 = arith.constant 0 : i32
          %parallel_loop3A_131 = arith.cmpi ne, %parallel_loop3A_129, %parallel_loop3A_130 : i32
          %parallel_loop3A_132 = arith.andi %parallel_loop3A_128, %parallel_loop3A_131 : i1
          %parallel_loop3A_133 = arith.constant 1 : i32
          %parallel_loop3A_134 = arith.subi %parallel_loop3A_113, %parallel_loop3A_133 : i32
          %parallel_loop3A_135 = arith.select %parallel_loop3A_132, %parallel_loop3A_134, %parallel_loop3A_113 : i32
          %parallel_loop3A_136 = arith.constant 8 : i32
          %parallel_loop3A_137 = arith.remsi %parallel_loop3A_111, %parallel_loop3A_136 : i32
          %parallel_loop3A_138 = arith.constant 10 : i32
          %parallel_loop3A_139 = arith.muli %scan3A_83, %parallel_loop3A_138 : i32
          %parallel_loop3A_140 = arith.addi %parallel_loop3A_139, %parallel_loop3A_135 : i32
          %parallel_loop3A_141 = arith.constant 128 : i32
          %parallel_loop3A_142 = arith.muli %parallel_loop3A_140, %parallel_loop3A_141 : i32
          %parallel_loop3A_143 = arith.constant 16 : i32
          %parallel_loop3A_144 = arith.muli %parallel_loop3A_137, %parallel_loop3A_143 : i32
          %parallel_loop3A_145 = arith.addi %parallel_loop3A_142, %parallel_loop3A_144 : i32
          %parallel_loop3A_146 = arith.index_cast %parallel_loop3A_145 : i32 to index
          %parallel_loop3A_147 = tpu.vector_load %arg6[%parallel_loop3A_146] {strides = array<i32>} : memref<25600xi32, #tpu.memory_space<vmem>>, vector<16xi32>,
          %parallel_loop3A_148 = arith.constant 0 : i32
          %parallel_loop3A_149 = vector.broadcast %parallel_loop3A_148 : i32 to vector<16xi32>
          %parallel_loop3A_150 = tpu.vector_load_idx %arg9[%parallel_loop3A_147, %parallel_loop3A_149] : memref<1008x8xf32, #tpu.memory_space<vmem>>[vector<16xi32>, vector<16xi32>], vector<16xf32>,
          %parallel_loop3A_151 = arith.constant 16 : i32
          %parallel_loop3A_152 = arith.muli %parallel_loop3A_137, %parallel_loop3A_151 : i32
          %parallel_loop3A_153 = arith.constant 0 : i32
          %parallel_loop3A_154 = arith.index_cast %rem3A_85 : i32 to index
          %parallel_loop3A_155 = arith.index_cast %parallel_loop3A_135 : i32 to index
          %parallel_loop3A_156 = arith.index_cast %parallel_loop3A_153 : i32 to index
          %parallel_loop3A_157 = arith.index_cast %parallel_loop3A_152 : i32 to index
          %parallel_loop3A_158 = tpu.vector_load %arg10[%parallel_loop3A_154, %parallel_loop3A_155, %parallel_loop3A_156, %parallel_loop3A_157] {strides = array<i32>} : memref<2x10x8x128xf32, #tpu.memory_space<vmem>>, vector<16xf32>,
          tpu.vector_store %arg10[%parallel_loop3A_154, %parallel_loop3A_155, %parallel_loop3A_156, %parallel_loop3A_157], %parallel_loop3A_150 {strides = array<i32>} : memref<2x10x8x128xf32, #tpu.memory_space<vmem>>, vector<16xf32>,
          %parallel_loop3A_159 = arith.constant 1 : i32
          %parallel_loop3A_160 = vector.broadcast %parallel_loop3A_159 : i32 to vector<16xi32>
          %parallel_loop3A_161 = tpu.vector_load_idx %arg9[%parallel_loop3A_147, %parallel_loop3A_160] : memref<1008x8xf32, #tpu.memory_space<vmem>>[vector<16xi32>, vector<16xi32>], vector<16xf32>,
          %parallel_loop3A_162 = arith.constant 16 : i32
          %parallel_loop3A_163 = arith.muli %parallel_loop3A_137, %parallel_loop3A_162 : i32
          %parallel_loop3A_164 = arith.constant 1 : i32
          %parallel_loop3A_165 = arith.index_cast %rem3A_85 : i32 to index
          %parallel_loop3A_166 = arith.index_cast %parallel_loop3A_135 : i32 to index
          %parallel_loop3A_167 = arith.index_cast %parallel_loop3A_164 : i32 to index
          %parallel_loop3A_168 = arith.index_cast %parallel_loop3A_163 : i32 to index
          %parallel_loop3A_169 = tpu.vector_load %arg10[%parallel_loop3A_165, %parallel_loop3A_166, %parallel_loop3A_167, %parallel_loop3A_168] {strides = array<i32>} : memref<2x10x8x128xf32, #tpu.memory_space<vmem>>, vector<16xf32>,
          tpu.vector_store %arg10[%parallel_loop3A_165, %parallel_loop3A_166, %parallel_loop3A_167, %parallel_loop3A_168], %parallel_loop3A_161 {strides = array<i32>} : memref<2x10x8x128xf32, #tpu.memory_space<vmem>>, vector<16xf32>,
          %parallel_loop3A_170 = arith.constant 2 : i32
          %parallel_loop3A_171 = vector.broadcast %parallel_loop3A_170 : i32 to vector<16xi32>
          %parallel_loop3A_172 = tpu.vector_load_idx %arg9[%parallel_loop3A_147, %parallel_loop3A_171] : memref<1008x8xf32, #tpu.memory_space<vmem>>[vector<16xi32>, vector<16xi32>], vector<16xf32>,
          %parallel_loop3A_173 = arith.constant 16 : i32
          %parallel_loop3A_174 = arith.muli %parallel_loop3A_137, %parallel_loop3A_173 : i32
          %parallel_loop3A_175 = arith.constant 2 : i32
          %parallel_loop3A_176 = arith.index_cast %rem3A_85 : i32 to index
          %parallel_loop3A_177 = arith.index_cast %parallel_loop3A_135 : i32 to index
          %parallel_loop3A_178 = arith.index_cast %parallel_loop3A_175 : i32 to index
          %parallel_loop3A_179 = arith.index_cast %parallel_loop3A_174 : i32 to index
          %parallel_loop3A_180 = tpu.vector_load %arg10[%parallel_loop3A_176, %parallel_loop3A_177, %parallel_loop3A_178, %parallel_loop3A_179] {strides = array<i32>} : memref<2x10x8x128xf32, #tpu.memory_space<vmem>>, vector<16xf32>,
          tpu.vector_store %arg10[%parallel_loop3A_176, %parallel_loop3A_177, %parallel_loop3A_178, %parallel_loop3A_179], %parallel_loop3A_172 {strides = array<i32>} : memref<2x10x8x128xf32, #tpu.memory_space<vmem>>, vector<16xf32>,
          %parallel_loop3A_181 = arith.constant 3 : i32
          %parallel_loop3A_182 = vector.broadcast %parallel_loop3A_181 : i32 to vector<16xi32>
          %parallel_loop3A_183 = tpu.vector_load_idx %arg9[%parallel_loop3A_147, %parallel_loop3A_182] : memref<1008x8xf32, #tpu.memory_space<vmem>>[vector<16xi32>, vector<16xi32>], vector<16xf32>,
          %parallel_loop3A_184 = arith.constant 16 : i32
          %parallel_loop3A_185 = arith.muli %parallel_loop3A_137, %parallel_loop3A_184 : i32
          %parallel_loop3A_186 = arith.constant 3 : i32
          %parallel_loop3A_187 = arith.index_cast %rem3A_85 : i32 to index
          %parallel_loop3A_188 = arith.index_cast %parallel_loop3A_135 : i32 to index
          %parallel_loop3A_189 = arith.index_cast %parallel_loop3A_186 : i32 to index
          %parallel_loop3A_190 = arith.index_cast %parallel_loop3A_185 : i32 to index
          %parallel_loop3A_191 = tpu.vector_load %arg10[%parallel_loop3A_187, %parallel_loop3A_188, %parallel_loop3A_189, %parallel_loop3A_190] {strides = array<i32>} : memref<2x10x8x128xf32, #tpu.memory_space<vmem>>, vector<16xf32>,
          tpu.vector_store %arg10[%parallel_loop3A_187, %parallel_loop3A_188, %parallel_loop3A_189, %parallel_loop3A_190], %parallel_loop3A_183 {strides = array<i32>} : memref<2x10x8x128xf32, #tpu.memory_space<vmem>>, vector<16xf32>,
          %parallel_loop3A_192 = arith.constant 4 : i32
          %parallel_loop3A_193 = vector.broadcast %parallel_loop3A_192 : i32 to vector<16xi32>
          %parallel_loop3A_194 = tpu.vector_load_idx %arg9[%parallel_loop3A_147, %parallel_loop3A_193] : memref<1008x8xf32, #tpu.memory_space<vmem>>[vector<16xi32>, vector<16xi32>], vector<16xf32>,
          %parallel_loop3A_195 = arith.constant 16 : i32
          %parallel_loop3A_196 = arith.muli %parallel_loop3A_137, %parallel_loop3A_195 : i32
          %parallel_loop3A_197 = arith.constant 4 : i32
          %parallel_loop3A_198 = arith.index_cast %rem3A_85 : i32 to index
          %parallel_loop3A_199 = arith.index_cast %parallel_loop3A_135 : i32 to index
          %parallel_loop3A_200 = arith.index_cast %parallel_loop3A_197 : i32 to index
          %parallel_loop3A_201 = arith.index_cast %parallel_loop3A_196 : i32 to index
          %parallel_loop3A_202 = tpu.vector_load %arg10[%parallel_loop3A_198, %parallel_loop3A_199, %parallel_loop3A_200, %parallel_loop3A_201] {strides = array<i32>} : memref<2x10x8x128xf32, #tpu.memory_space<vmem>>, vector<16xf32>,
          tpu.vector_store %arg10[%parallel_loop3A_198, %parallel_loop3A_199, %parallel_loop3A_200, %parallel_loop3A_201], %parallel_loop3A_194 {strides = array<i32>} : memref<2x10x8x128xf32, #tpu.memory_space<vmem>>, vector<16xf32>,
          %parallel_loop3A_203 = arith.constant 5 : i32
          %parallel_loop3A_204 = vector.broadcast %parallel_loop3A_203 : i32 to vector<16xi32>
          %parallel_loop3A_205 = tpu.vector_load_idx %arg9[%parallel_loop3A_147, %parallel_loop3A_204] : memref<1008x8xf32, #tpu.memory_space<vmem>>[vector<16xi32>, vector<16xi32>], vector<16xf32>,
          %parallel_loop3A_206 = arith.constant 16 : i32
          %parallel_loop3A_207 = arith.muli %parallel_loop3A_137, %parallel_loop3A_206 : i32
          %parallel_loop3A_208 = arith.constant 5 : i32
          %parallel_loop3A_209 = arith.index_cast %rem3A_85 : i32 to index
          %parallel_loop3A_210 = arith.index_cast %parallel_loop3A_135 : i32 to index
          %parallel_loop3A_211 = arith.index_cast %parallel_loop3A_208 : i32 to index
          %parallel_loop3A_212 = arith.index_cast %parallel_loop3A_207 : i32 to index
          %parallel_loop3A_213 = tpu.vector_load %arg10[%parallel_loop3A_209, %parallel_loop3A_210, %parallel_loop3A_211, %parallel_loop3A_212] {strides = array<i32>} : memref<2x10x8x128xf32, #tpu.memory_space<vmem>>, vector<16xf32>,
          tpu.vector_store %arg10[%parallel_loop3A_209, %parallel_loop3A_210, %parallel_loop3A_211, %parallel_loop3A_212], %parallel_loop3A_205 {strides = array<i32>} : memref<2x10x8x128xf32, #tpu.memory_space<vmem>>, vector<16xf32>,
          %parallel_loop3A_214 = arith.constant 6 : i32
          %parallel_loop3A_215 = vector.broadcast %parallel_loop3A_214 : i32 to vector<16xi32>
          %parallel_loop3A_216 = tpu.vector_load_idx %arg9[%parallel_loop3A_147, %parallel_loop3A_215] : memref<1008x8xf32, #tpu.memory_space<vmem>>[vector<16xi32>, vector<16xi32>], vector<16xf32>,
          %parallel_loop3A_217 = arith.constant 16 : i32
          %parallel_loop3A_218 = arith.muli %parallel_loop3A_137, %parallel_loop3A_217 : i32
          %parallel_loop3A_219 = arith.constant 6 : i32
          %parallel_loop3A_220 = arith.index_cast %rem3A_85 : i32 to index
          %parallel_loop3A_221 = arith.index_cast %parallel_loop3A_135 : i32 to index
          %parallel_loop3A_222 = arith.index_cast %parallel_loop3A_219 : i32 to index
          %parallel_loop3A_223 = arith.index_cast %parallel_loop3A_218 : i32 to index
          %parallel_loop3A_224 = tpu.vector_load %arg10[%parallel_loop3A_220, %parallel_loop3A_221, %parallel_loop3A_222, %parallel_loop3A_223] {strides = array<i32>} : memref<2x10x8x128xf32, #tpu.memory_space<vmem>>, vector<16xf32>,
          tpu.vector_store %arg10[%parallel_loop3A_220, %parallel_loop3A_221, %parallel_loop3A_222, %parallel_loop3A_223], %parallel_loop3A_216 {strides = array<i32>} : memref<2x10x8x128xf32, #tpu.memory_space<vmem>>, vector<16xf32>,
          %parallel_loop3A_225 = arith.constant 7 : i32
          %parallel_loop3A_226 = vector.broadcast %parallel_loop3A_225 : i32 to vector<16xi32>
          %parallel_loop3A_227 = tpu.vector_load_idx %arg9[%parallel_loop3A_147, %parallel_loop3A_226] : memref<1008x8xf32, #tpu.memory_space<vmem>>[vector<16xi32>, vector<16xi32>], vector<16xf32>,
          %parallel_loop3A_228 = arith.constant 16 : i32
          %parallel_loop3A_229 = arith.muli %parallel_loop3A_137, %parallel_loop3A_228 : i32
          %parallel_loop3A_230 = arith.constant 7 : i32
          %parallel_loop3A_231 = arith.index_cast %rem3A_85 : i32 to index
          %parallel_loop3A_232 = arith.index_cast %parallel_loop3A_135 : i32 to index
          %parallel_loop3A_233 = arith.index_cast %parallel_loop3A_230 : i32 to index
          %parallel_loop3A_234 = arith.index_cast %parallel_loop3A_229 : i32 to index
          %parallel_loop3A_235 = tpu.vector_load %arg10[%parallel_loop3A_231, %parallel_loop3A_232, %parallel_loop3A_233, %parallel_loop3A_234] {strides = array<i32>} : memref<2x10x8x128xf32, #tpu.memory_space<vmem>>, vector<16xf32>,
          tpu.vector_store %arg10[%parallel_loop3A_231, %parallel_loop3A_232, %parallel_loop3A_233, %parallel_loop3A_234], %parallel_loop3A_227 {strides = array<i32>} : memref<2x10x8x128xf32, #tpu.memory_space<vmem>>, vector<16xf32>,
        } {sc.loop_unroll_factor = 8 : i64, sc.parallel_access}
        %mul3A_89 = arith.constant 10 : i32
        %mul3A_90 = arith.muli %scan3A_83, %mul3A_89 : i32
        %gt3A = arith.cmpi sgt, %while3A_75, %select_n3A : i32
        %gt3A_91 = arith.constant 0 : i32
        %gt3A_92 = arith.cmpi sgt, %scan3A_83, %gt3A_91 : i32
        %or3A = arith.ori %gt3A, %gt3A_92 : i1
        %convert_element_type3A = arith.extui %or3A : i1 to i32
        %cond3A = arith.constant 0 : i32
        %cond3A_93 = arith.cmpi ne, %convert_element_type3A, %cond3A : i32
        scf.if %cond3A_93 {
          %dma_wait3A_111 = arith.constant 0 : i32
          %dma_wait3A_112 = arith.constant 0 : i32
          %dma_wait3A_113 = arith.constant 0 : i32
          %dma_wait3A_114 = tpu.memref_slice %arg10[%rem3A_85, %dma_wait3A_111, %dma_wait3A_112, %dma_wait3A_113] : memref<2x10x8x128xf32, #tpu.memory_space<vmem>> -> memref<1x10x8x128xf32, #tpu.memory_space<vmem>>
          %dma_wait3A_115 = tpu.memref_squeeze %dma_wait3A_114 : memref<1x10x8x128xf32, #tpu.memory_space<vmem>> -> memref<10x8x128xf32, #tpu.memory_space<vmem>>
          %dma_wait3A_116 = arith.constant 0 : i32
          %dma_wait3A_117 = arith.constant 0 : i32
          %dma_wait3A_118 = tpu.memref_slice %arg5[%while3A_75, %mul3A_90, %dma_wait3A_116, %dma_wait3A_117] : memref<125x200x8x128xf32, #tpu.memory_space<hbm>> -> memref<1x10x8x128xf32, #tpu.memory_space<hbm>>
          %dma_wait3A_119 = tpu.memref_squeeze %dma_wait3A_118 : memref<1x10x8x128xf32, #tpu.memory_space<hbm>> -> memref<10x8x128xf32, #tpu.memory_space<hbm>>
          %dma_wait3A_120 = arith.constant 0 : i32
          %dma_wait3A_121 = arith.constant 0 : i32
          %dma_wait3A_122 = tpu.memref_slice %arg5[%while3A_75, %mul3A_90, %dma_wait3A_120, %dma_wait3A_121] : memref<125x200x8x128xf32, #tpu.memory_space<hbm>> -> memref<1x10x8x128xf32, #tpu.memory_space<hbm>>
          %dma_wait3A_123 = tpu.memref_squeeze %dma_wait3A_122 : memref<1x10x8x128xf32, #tpu.memory_space<hbm>> -> memref<10x8x128xf32, #tpu.memory_space<hbm>>
          %dma_wait3A_124 = arith.constant 0 : i32
          %dma_wait3A_125 = arith.constant 0 : i32
          %dma_wait3A_126 = arith.constant 0 : i32
          %dma_wait3A_127 = tpu.memref_slice %arg10[%rem3A_85, %dma_wait3A_124, %dma_wait3A_125, %dma_wait3A_126] : memref<2x10x8x128xf32, #tpu.memory_space<vmem>> -> memref<1x10x8x128xf32, #tpu.memory_space<vmem>>
          %dma_wait3A_128 = tpu.memref_squeeze %dma_wait3A_127 : memref<1x10x8x128xf32, #tpu.memory_space<vmem>> -> memref<10x8x128xf32, #tpu.memory_space<vmem>>
          tpu.wait_dma2 semaphore(%arg11 : memref<!tpu.dma_semaphore, #tpu.memory_space<semaphore_mem>>) src(%dma_wait3A_128 : memref<10x8x128xf32, #tpu.memory_space<vmem>>) dst(%dma_wait3A_123 : memref<10x8x128xf32, #tpu.memory_space<hbm>>)
        } else {
        }
        %dma_start3A = arith.constant 0 : i32
        %dma_start3A_94 = arith.constant 0 : i32
        %dma_start3A_95 = arith.constant 0 : i32
        %dma_start3A_96 = tpu.memref_slice %arg10[%rem3A_85, %dma_start3A, %dma_start3A_94, %dma_start3A_95] : memref<2x10x8x128xf32, #tpu.memory_space<vmem>> -> memref<1x10x8x128xf32, #tpu.memory_space<vmem>>
        %dma_start3A_97 = tpu.memref_squeeze %dma_start3A_96 : memref<1x10x8x128xf32, #tpu.memory_space<vmem>> -> memref<10x8x128xf32, #tpu.memory_space<vmem>>
        %dma_start3A_98 = arith.constant 0 : i32
        %dma_start3A_99 = arith.constant 0 : i32
        %dma_start3A_100 = tpu.memref_slice %arg5[%while3A_75, %mul3A_90, %dma_start3A_98, %dma_start3A_99] : memref<125x200x8x128xf32, #tpu.memory_space<hbm>> -> memref<1x10x8x128xf32, #tpu.memory_space<hbm>>
        %dma_start3A_101 = tpu.memref_squeeze %dma_start3A_100 : memref<1x10x8x128xf32, #tpu.memory_space<hbm>> -> memref<10x8x128xf32, #tpu.memory_space<hbm>>
        %dma_start3A_102 = arith.constant 0 : i32
        %dma_start3A_103 = arith.constant 0 : i32
        %dma_start3A_104 = tpu.memref_slice %arg5[%while3A_75, %mul3A_90, %dma_start3A_102, %dma_start3A_103] : memref<125x200x8x128xf32, #tpu.memory_space<hbm>> -> memref<1x10x8x128xf32, #tpu.memory_space<hbm>>
        %dma_start3A_105 = tpu.memref_squeeze %dma_start3A_104 : memref<1x10x8x128xf32, #tpu.memory_space<hbm>> -> memref<10x8x128xf32, #tpu.memory_space<hbm>>
        %dma_start3A_106 = arith.constant 0 : i32
        %dma_start3A_107 = arith.constant 0 : i32
        %dma_start3A_108 = arith.constant 0 : i32
        %dma_start3A_109 = tpu.memref_slice %arg10[%rem3A_85, %dma_start3A_106, %dma_start3A_107, %dma_start3A_108] : memref<2x10x8x128xf32, #tpu.memory_space<vmem>> -> memref<1x10x8x128xf32, #tpu.memory_space<vmem>>
        %dma_start3A_110 = tpu.memref_squeeze %dma_start3A_109 : memref<1x10x8x128xf32, #tpu.memory_space<vmem>> -> memref<10x8x128xf32, #tpu.memory_space<vmem>>
        tpu.enqueue_dma source(%dma_start3A_110 : memref<10x8x128xf32, #tpu.memory_space<vmem>>) target(%dma_start3A_105 : memref<10x8x128xf32, #tpu.memory_space<hbm>>) target_semaphore(%arg11 : memref<!tpu.dma_semaphore, #tpu.memory_space<semaphore_mem>>)
      }
      %scan3A_82 = arith.constant 20 : i32
    }
    %dma_wait3A = arith.constant 1 : i32
    %dma_wait3A_55 = arith.constant 0 : i32
    %dma_wait3A_56 = arith.constant 0 : i32
    %dma_wait3A_57 = arith.constant 0 : i32
    %dma_wait3A_58 = tpu.memref_slice %arg10[%dma_wait3A, %dma_wait3A_55, %dma_wait3A_56, %dma_wait3A_57] : memref<2x10x8x128xf32, #tpu.memory_space<vmem>> -> memref<1x10x8x128xf32, #tpu.memory_space<vmem>>
    %dma_wait3A_59 = tpu.memref_squeeze %dma_wait3A_58 : memref<1x10x8x128xf32, #tpu.memory_space<vmem>> -> memref<10x8x128xf32, #tpu.memory_space<vmem>>
    %dma_wait3A_60 = arith.constant 0 : i32
    %dma_wait3A_61 = arith.constant 0 : i32
    %dma_wait3A_62 = arith.constant 0 : i32
    %dma_wait3A_63 = tpu.memref_slice %arg5[%select_n3A, %dma_wait3A_60, %dma_wait3A_61, %dma_wait3A_62] : memref<125x200x8x128xf32, #tpu.memory_space<hbm>> -> memref<1x10x8x128xf32, #tpu.memory_space<hbm>>
    %dma_wait3A_64 = tpu.memref_squeeze %dma_wait3A_63 : memref<1x10x8x128xf32, #tpu.memory_space<hbm>> -> memref<10x8x128xf32, #tpu.memory_space<hbm>>
    %dma_wait3A_65 = arith.constant 0 : i32
    %dma_wait3A_66 = arith.constant 0 : i32
    %dma_wait3A_67 = arith.constant 0 : i32
    %dma_wait3A_68 = tpu.memref_slice %arg5[%select_n3A, %dma_wait3A_65, %dma_wait3A_66, %dma_wait3A_67] : memref<125x200x8x128xf32, #tpu.memory_space<hbm>> -> memref<1x10x8x128xf32, #tpu.memory_space<hbm>>
    %dma_wait3A_69 = tpu.memref_squeeze %dma_wait3A_68 : memref<1x10x8x128xf32, #tpu.memory_space<hbm>> -> memref<10x8x128xf32, #tpu.memory_space<hbm>>
    %dma_wait3A_70 = arith.constant 0 : i32
    %dma_wait3A_71 = arith.constant 0 : i32
    %dma_wait3A_72 = arith.constant 0 : i32
    %dma_wait3A_73 = tpu.memref_slice %arg10[%dma_wait3A, %dma_wait3A_70, %dma_wait3A_71, %dma_wait3A_72] : memref<2x10x8x128xf32, #tpu.memory_space<vmem>> -> memref<1x10x8x128xf32, #tpu.memory_space<vmem>>
    %dma_wait3A_74 = tpu.memref_squeeze %dma_wait3A_73 : memref<1x10x8x128xf32, #tpu.memory_space<vmem>> -> memref<10x8x128xf32, #tpu.memory_space<vmem>>
    tpu.wait_dma2 semaphore(%arg11 : memref<!tpu.dma_semaphore, #tpu.memory_space<semaphore_mem>>) src(%dma_wait3A_74 : memref<10x8x128xf32, #tpu.memory_space<vmem>>) dst(%dma_wait3A_69 : memref<10x8x128xf32, #tpu.memory_space<hbm>>)
    return
  }
}

module attributes {stable_mosaic.version = 14 : i64} {
  func.func @_lse_body(%arg0: memref<1000x1000xf32, #tpu.memory_space<vmem>>, %arg1: memref<1000xf32, #tpu.memory_space<vmem>>) attributes {dimension_semantics = [], scalar_prefetch = 0 : i64, scratch_operands = 0 : i64, tpu.core_type = #tpu.core_type<tc>} {
    %get3A = arith.constant 0 : index
    %get3A_0 = arith.constant 0 : index
    %get3A_1 = vector.load %arg0[%get3A, %get3A_0] : memref<1000x1000xf32, #tpu.memory_space<vmem>>, vector<1000x1000xf32>
    %reduce_max3A = arith.constant dense<0xFF800000> : vector<1000xf32>
    %reduce_max3A_2 = vector.multi_reduction <maximumf>, %get3A_1, %reduce_max3A [1] : vector<1000x1000xf32> to vector<1000xf32>
    %broadcast_in_dim3A = vector.shape_cast %reduce_max3A_2 : vector<1000xf32> to vector<1000x1xf32>
    %sub3A = vector.broadcast %broadcast_in_dim3A : vector<1000x1xf32> to vector<1000x1000xf32>
    %sub3A_3 = arith.subf %get3A_1, %sub3A : vector<1000x1000xf32>
    %exp3A = math.exp %sub3A_3 : vector<1000x1000xf32>
    %reduce_sum3A = arith.constant dense<0.000000e+00> : vector<1000xf32>
    %reduce_sum3A_4 = vector.multi_reduction <add>, %exp3A, %reduce_sum3A [1] : vector<1000x1000xf32> to vector<1000xf32>
    %log3A = math.log %reduce_sum3A_4 : vector<1000xf32>
    %add3A = arith.addf %reduce_max3A_2, %log3A : vector<1000xf32>
    %swap3A = arith.constant 0 : index
    %swap3A_5 = vector.load %arg1[%swap3A] : memref<1000xf32, #tpu.memory_space<vmem>>, vector<1000xf32>
    tpu.vector_store %arg1[%swap3A], %add3A {strides = array<i32>} : memref<1000xf32, #tpu.memory_space<vmem>>, vector<1000xf32>,
    return
  }
}

module attributes {stable_mosaic.version = 14 : i64} {
  func.func @_fin_body(%arg0: memref<32x16xf32, #tpu.memory_space<vmem>>, %arg1: memref<1x1xf32, #tpu.memory_space<vmem>>) attributes {dimension_semantics = [], scalar_prefetch = 0 : i64, scratch_operands = 0 : i64, tpu.core_type = #tpu.core_type<tc>} {
    %get3A = arith.constant 0 : index
    %get3A_0 = arith.constant 0 : index
    %get3A_1 = vector.load %arg0[%get3A, %get3A_0] : memref<32x16xf32, #tpu.memory_space<vmem>>, vector<32x16xf32>
    %reduce_sum3A = vector.shape_cast %get3A_1 : vector<32x16xf32> to vector<1x32x16xf32>
    %reduce_sum3A_2 = arith.constant dense<0.000000e+00> : vector<1xf32>
    %reduce_sum3A_3 = vector.multi_reduction <add>, %reduce_sum3A, %reduce_sum3A_2 [1, 2] : vector<1x32x16xf32> to vector<1xf32>
    %reduce_sum3A_4 = vector.shape_cast %reduce_sum3A_3 : vector<1xf32> to vector<1x1x1xf32>
    %reduce_sum3A_5 = vector.extract %reduce_sum3A_4[0, 0, 0] : f32 from vector<1x1x1xf32>
    %div3A = arith.constant 2.560000e+04 : f32
    %div3A_6 = arith.divf %reduce_sum3A_5, %div3A : f32
    %reshape3A = vector.broadcast %div3A_6 : f32 to vector<1x1xf32>
    %swap3A = arith.constant 0 : index
    %swap3A_7 = arith.constant 0 : index
    %swap3A_8 = vector.load %arg1[%swap3A, %swap3A_7] : memref<1x1xf32, #tpu.memory_space<vmem>>, vector<1x1xf32>
    tpu.vector_store %arg1[%swap3A, %swap3A_7], %reshape3A {strides = array<i32>} : memref<1x1xf32, #tpu.memory_space<vmem>>, vector<1x1xf32>,
    return
  }
}

</mosaic_0001>

<sc_bundles>
// kernel: kernel.6.cloned.1.call-start
scs
__scs_entry_jumppad:
0x0: {  	(pc) =	sbr.rel $0x88, $3  }
0x1: {  	(tag) =	ssettag $0x0;
	lr =	simm.s32 $0x1  }
0x2: {  	[smem:$0x3F9E] =	sst lr;
	_ =	strace $0xD0000000  }
0x3: {  	_ = 	snop  }
0x4: {  	_ = 	snop  }
0x5: {  	_ = 	snop  }
0x6: {  	_ = 	snop  }
0x7: {  	_ = 	snop  }
__scs_overlays_trampoline_lowered:
0x8: {  	[smem:$0x3FAD] =	sst s0  }
0x9: {  	[smem:$0x3FAE] =	sst s1  }
0xa: {  	[smem:$0x3FAF] =	sst s2  }
0xb: {  	[smem:$0x3FB0] =	sst s3  }
0xc: {  	[smem:$0x3FB1] =	sst s4  }
0xd: {  	[smem:$0x3FB2] =	sst s5  }
0xe: {  	[smem:$0x3FB3] =	sst s6  }
0xf: {  	[smem:$0x3FB4] =	sst s7  }
0x10: {  	[smem:$0x3FB5] =	sst s8  }
0x11: {  	[smem:$0x3FB6] =	sst s9;
	s0 =	simm.s32 @!p0 $0x0  }
0x12: {  	s1 =	sld [smem:$0x3F9C];
	s0 =	simm.s32 @p0 $0x1  }
0x13: {  	[smem:$0x3FB7] =	sst s0;
	s0 =	simm.s32 @!p1 $0x0  }
0x14: {  	s2 =	sld [smem:$0x3F9B];
	s0 =	simm.s32 @p1 $0x1  }
0x15: {  	[smem:$0x3FB8] =	sst s0;
	s0 =	simm.s32 @!p2 $0x0  }
0x16: {  	s3 =	sld [smem:$0x3FDB];
	s0 =	simm.s32 @p2 $0x1  }
0x17: {  	s4 =	simm.s32 $0x1BF5;
	[smem:$0x3FBA] =	sst s0  }
0x18: {  	s0 =	sld [smem:$0x3F9D];
	_ =	swait.ge [sflag:s4], $0x0  }
0x19: {  	s7 =	sld [smem:$0x3F9E]  }
0x1a: {  	s8 =	sadd.s32 $0xFFFFE003, lr  }
0x1b: {  	s9 =	sadd.s32 $0xFFFFFEF7, lr;
	s5 =	simm.s32 $0xFFFFFFFF;
	p2 =	slt.u32 s8, $0xFFFFF086  }
0x1c: {  	p1 =	slt.u32 s9, $0xF7A;
	s5 =	simm.s32 @!p2 $0x0  }
0x1d: {  	s5 =	simm.s32 @p1 $0x1;
	p0 =	seq.s32 s7, s2  }
0x1e: {  	s7 =	smul.u32 @!p0 $0xF7A, s2;
	p2 =	seq.s32 @!p0 s5, $0x0  }
0x1f: {  	s9 =	smul.u32 $0xF7A, s1;
	s8 =	simm.s32 @!p0 $0x1BF5;
	p2 =	por !p2, p0  }
0x20: {  	[sflag:s8] =	ssyncset.s32 @!p0 $0xFFFFF086;
	s6 =	sadd.s32 @!p0 s3, s7;
	s7 =	simm.s32 @!p0 $0x108  }
0x21: {  	s3 =	sadd.s32 s3, s9;
	s6 =	sadd.s32 @!p0 $0x88, s6;
	s7 =	simm.s32 @p2 $0x1082  }
0x22: {  	[simem:s7], [sflag:s8] =	dma.local @!p0 [hbm:s6], $0xF7A  }
0x23: {  	s9 =	sor.u32 $0xD0000000, s2;
	s6 =	simm.s32 $0x108;
	_ =	swait.ge @!p0 [sflag:s8], $0x0  }
0x24: {  	s3 =	sadd.s32 $0x88, s3;
	s6 =	simm.s32 @!p1 $0x1082;
	[sflag:s4] =	ssyncset.s32 $0xFFFFF086  }
0x25: {  	[simem:s6], [sflag:s4] =	dma.local [hbm:s3], $0xF7A  }
0x26: {  	[smem:$0x3F9E] =	sst s1;
	(tag) =	ssettag s2;
	_ =	strace s9  }
0x27: {  	s1 =	sld [smem:$0x3FAE]  }
0x28: {  	s2 =	sld [smem:$0x3FAF]  }
0x29: {  	s4 =	sld [smem:$0x3FB1]  }
0x2a: {  	p0 =	seq.s32 s5, $0x0;
	s5 =	sld [smem:$0x3FB2]  }
0x2b: {  	s6 =	sld [smem:$0x3FB3]  }
0x2c: {  	s7 =	sld [smem:$0x3FB4]  }
0x2d: {  	s3 =	simm.s32 $0x108;
	s8 =	sld [smem:$0x3FB5]  }
0x2e: {  	s3 =	simm.s32 @!p0 $0x1082;
	s9 =	sld [smem:$0x3FB6]  }
0x2f: {  	lr =	sadd.s32 s0, s3;
	s0 =	sld [smem:$0x3FAD]  }
0x30: {  	s3 =	sld [smem:$0x3FB0]  }
0x31: {  	[smem:$0x3FB9] =	sst s10  }
0x32: {  	s10 =	sld [smem:$0x3FB7];
	_ =	sdelay $0x3  }
0x33: {  	p0 =	seq.s32 s10, $0x1;
	s10 =	sld [smem:$0x3FB9];
	_ =	sdelay $0x3  }
0x34: {  	[smem:$0x3FB9] =	sst s10  }
0x35: {  	s10 =	sld [smem:$0x3FB8];
	_ =	sdelay $0x3  }
0x36: {  	p1 =	seq.s32 s10, $0x1;
	s10 =	sld [smem:$0x3FB9];
	_ =	sdelay $0x3  }
0x37: {  	[smem:$0x3FB9] =	sst s10  }
0x38: {  	s10 =	sld [smem:$0x3FBA]  }
0x39: {  	_ = 	snop;
	(pc) =	sbr.ind lr, $3  }
0x3a: {  	_ = 	snop  }
0x3b: {  	_ = 	snop  }
0x3c: {  	p2 =	seq.s32 s10, $0x1;
	s10 =	sld [smem:$0x3FB9]  }
0x3d: {  	_ =	shalt  }
0x3e: {  	_ =	shalt  }
0x3f: {  	_ =	shalt  }
0x40: {  	_ =	shalt  }
0x41: {  	_ =	shalt  }
0x42: {  	_ =	shalt  }
0x43: {  	_ =	shalt  }
0x44: {  	_ =	shalt  }
0x45: {  	_ =	shalt  }
0x46: {  	_ =	shalt  }
0x47: {  	_ =	shalt  }
0x48: {  	_ =	shalt  }
0x49: {  	_ =	shalt  }
0x4a: {  	_ =	shalt  }
0x4b: {  	_ =	shalt  }
0x4c: {  	_ =	shalt  }
0x4d: {  	_ =	shalt  }
0x4e: {  	_ =	shalt  }
0x4f: {  	_ =	shalt  }
0x50: {  	_ =	shalt  }
0x51: {  	_ =	shalt  }
0x52: {  	_ =	shalt  }
0x53: {  	_ =	shalt  }
0x54: {  	_ =	shalt  }
0x55: {  	_ =	shalt  }
0x56: {  	_ =	shalt  }
0x57: {  	_ =	shalt  }
0x58: {  	_ =	shalt  }
0x59: {  	_ =	shalt  }
0x5a: {  	_ =	shalt  }
0x5b: {  	_ =	shalt  }
0x5c: {  	_ =	shalt  }
0x5d: {  	_ =	shalt  }
0x5e: {  	_ =	shalt  }
0x5f: {  	_ =	shalt  }
0x60: {  	_ =	shalt  }
0x61: {  	_ =	shalt  }
0x62: {  	_ =	shalt  }
0x63: {  	_ =	shalt  }
0x64: {  	_ =	shalt  }
0x65: {  	_ =	shalt  }
0x66: {  	_ =	shalt  }
0x67: {  	_ =	shalt  }
0x68: {  	_ =	shalt  }
0x69: {  	_ =	shalt  }
0x6a: {  	_ =	shalt  }
0x6b: {  	_ =	shalt  }
0x6c: {  	_ =	shalt  }
0x6d: {  	_ =	shalt  }
0x6e: {  	_ =	shalt  }
0x6f: {  	_ =	shalt  }
0x70: {  	_ =	shalt  }
0x71: {  	_ =	shalt  }
0x72: {  	_ =	shalt  }
0x73: {  	_ =	shalt  }
0x74: {  	_ =	shalt  }
0x75: {  	_ =	shalt  }
0x76: {  	_ =	shalt  }
0x77: {  	_ =	shalt  }
0x78: {  	_ =	shalt  }
0x79: {  	_ =	shalt  }
0x7a: {  	_ =	shalt  }
0x7b: {  	_ =	shalt  }
0x7c: {  	_ =	shalt  }
0x7d: {  	_ =	shalt  }
0x7e: {  	_ =	shalt  }
0x7f: {  	_ =	shalt  }
0x80: {  	_ =	shalt  }
0x81: {  	_ =	shalt  }
0x82: {  	_ =	shalt  }
0x83: {  	_ =	shalt  }
0x84: {  	_ =	shalt  }
0x85: {  	_ =	shalt  }
0x86: {  	_ =	shalt  }
0x87: {  	_ =	shalt  }
.Lfunc_end0:
.L_simem_size_0:
called_computation_lowered:
.L_overlay_start_0:
0x88: {  	s2 =	sld [smem:$0x3FD9]  }
0x89: {  	s3 =	sld [smem:$0x3FFE];
	_ =	sdelay $0x1  }
0x8a: {  	s1 =	srdreg.scid  }
0x8b: {  	s0 =	sand.u32 $0x1, s1  }
0x8c: {  	s14 =	sshll.u32 s0, $0xA;
	s2 =	sadd.s32 s3, s2  }
0x8d: {  	s2 =	sadd.s32 s2, s14  }
0x8e: {  	[smem:$0x3FC5] =	sst s2  }
0x8f: {  	_ = 	snop  }
0x90: {  	s2 =	sld [smem:$0x3FD0];
	_ =	sdelay $0x2  }
0x91: {  	s15 =	simm.s32 $0xA;
	s4 =	simm.s32 $0x10  }
0x92: {  	[smem:s4], [sflag:s15] =	dma.local [hbm:s2], $0x1  }
0x93: {  	_ =	swait.eq [sflag:s15], $0x1  }
0x94: {  	[sflag:s15] =	ssyncset.done $0x0  }
0x95: {  	[sflag:s15] =	ssyncadd.s32 $0xFFFFFFFF  }
0x96: {  	s16 =	sld [smem:$0x10];
	(tm) =	ssettm $0x1  }
0x97: {  	s17 =	sld [smem:$0x3FFB];
	_ =	sdelay $0x3  }
0x98: {  	_ =	strace s17  }
0x99: {  	s3 =	sld [smem:$0x3FFC];
	_ =	sdelay $0x3  }
0x9a: {  	_ =	strace s3  }
0x9b: {  	s3 =	sld [smem:$0x3FFD];
	_ =	sdelay $0x3  }
0x9c: {  	_ =	strace s3  }
0x9d: {  	_ =	strace $0x8FFFFFFF  }
0x9e: {  	s18 =	sld [smem:$0x3FDB];
	_ =	sdelay $0x1  }
0x9f: {  	s19 =	simm.s32 $_scs_section_size  }
0xa0: {  	s5 =	simm.s32 $_size__tile_overlayer_lowered;
	s6 =	simm.s32 $_tile_overlayer_lowered  }
0xa1: {  	s22 =	simm.s32 $0x1BFF;
	s21 =	sshll.u32 s6, $0x1;
	s3 =	sadd.s32 s19, s18  }
0xa2: {  	s7 =	simm.s32 $0x0;
	s20 =	sshll.u32 s5, $0x1;
	s5 =	sadd.s32 s21, s3  }
0xa3: {  	[timem:s7], [sflag:s22] =	dma.local [hbm:s5], s20  }
0xa4: {  	_ =	swait.ge [sflag:s22], s20  }
0xa5: {  	s4 =	ssub.s32 $0x0, s20;
	[sflag:s22] =	ssyncset.done $0x0  }
0xa6: {  	[sflag:s22] =	ssyncadd.s32 s4;
	_ =	sdelay $0x1  }
0xa7: {  	s23 =	simm.s32 $0x1B8B  }
0xa8: {  	_ =	swait.ge [sflag:s23], $0x1  }
0xa9: {  	[sflag:s23] =	ssyncset.done $0x0  }
0xaa: {  	s25 =	simm.s32 $0x1B8E;
	s24 =	sld [smem:$0x3FFE];
	[sflag:s23] =	ssyncadd.s32 $0xFFFFFFFF  }
0xab: {  	s26 =	simm.s32 $execute0_lowered;
	[smem:$0x3FD2] =	sst s25  }
0xac: {  	s5 =	sshll.u32 s26, $0x1;
	_ =	strace $0x80000046;
	[dreg:$0x1] =	wrdreg $0xFFFFFFFF  }
0xad: {  	s28 =	simm.s32 $_size_execute0_lowered;
	s3 =	sadd.s32 s3, s5;
	[dreg:$0x0] =	wrdreg $0x0  }
0xae: {  	s5 =	sshll.u32 s28, $0x1;
	[dreg:$0x2] =	wrdreg s3  }
0xaf: {  	[dreg:$0x3] =	wrdreg s5  }
0xb0: {  	[dreg:$0x4] =	wrdreg $0xC0  }
0xb1: {  	_ =	task [dreg:s7], $0x5FFFF  }
0xb2: {  	[dreg:$0x1] =	wrdreg $0xFFFFFFFF  }
0xb3: {  	[dreg:$0x0] =	wrdreg $0x60  }
0xb4: {  	[dreg:$0x2] =	wrdreg s24  }
0xb5: {  	[dreg:$0x3] =	wrdreg s16  }
0xb6: {  	[dreg:$0x4] =	wrdreg $0x9  }
0xb7: {  	_ =	task.clear_ibuf [dreg:s7], $0x5FFFF;
	_ =	strace $0x90000046  }
0xb8: {  	s29 =	simm.s32 $0x9;
	_ =	strace $0x80000048  }
0xb9: {  	_ =	swait.ge [sflag:s29], $0x1  }
0xba: {  	[sflag:s29] =	ssyncadd.s32 $0xFFFFFFFF  }
0xbb: {  	_ =	strace $0x90000048  }
0xbc: {  	_ =	sfence  }
0xbd: {  	s30 =	sld [smem:$0x0];
	_ =	sdelay $0x2  }
0xbe: {  	s31 =	sshll.u32 s1, $0xD;
	s1 =	sshrl.u32 s1, $0x2  }
0xbf: {  	s3 =	sand.u32 $0x4000, s31;
	s1 =	sadd.s32 s1, s30  }
0xc0: {  	s0 =	sor.u32 s3, s0;
	s1 =	sshll.u32 s1, $0x11  }
0xc1: {  	s0 =	sor.u32 s1, s0  }
0xc2: {  	s0 =	sadd.s32 $0x8F2B, s0  }
0xc3: {  	[sflag:s0] =	ssyncadd.remote.s32 $0x1  }
0xc4: {  	_ =	sfence.sel $0xFFFF  }
0xc5: {  	[dreg:$0x0] =	wrdreg $0xFFFFFFFF;
	(pc) =	sbr.abs _section_cstart, $3  }
0xc6: {  	[dreg:$0x1] =	wrdreg $0xFFFFFFFF  }
0xc7: {  	_ =	task.clear_ibuf [dreg:s7], $0x2FFFF;
	_ =	strace $0x9FFFFFFF  }
0xc8: {  	(tm) =	ssettm $0x7FFFFFFF  }
0xc9: {  	_ =	shalt  }
tec
execute0_lowered:
.L_overlay_start_1:
0x0: {  	(tag) =	ssettag $0x1  }
0x1: {  	s6 =	rddreg [dreg:$0x0]  }
0x2: {  	s2 =	rddreg [dreg:$0x1]  }
0x3: {  	s0 =	rddreg [dreg:$0x2]  }
0x4: {  	s4 =	srdreg.scid;
	s1 =	stileid.u32  }
0x5: {  	s3 =	simm.s32 $0x0;
	s11 =	simm.s32 $0x2;
	s12 =	simm.s32 $0x3F0  }
0x6: {  	s13 =	simm.s32 $0x67F0;
	s4 =	sand.u32 $0x1, s4;
	s5 =	sshll.u32 s1, $0x1  }
0x7: {  	s14 =	simm.s32 $0x6BE0;
	s15 =	simm.s32 $0x3;
	s5 =	sor.u32 s4, s5  }
0x8: {  	s16 =	simm.s32 $0x1;
	[smem:$0x7FF] =	sst s3;
	s8 =	smul.u32 $0x7D, s5  }
.Ltmp0:
0x9: {  	s17 =	simm.s32 $0x0;
	_ =	strace $0x80000047;
	(pc) =	sbr.rel .LBB2_1-.Ltmp0, $4  }
0xa: {  	s7 =	ssub.s32 $0x2, s4;
	s4 =	sadd.s32 $0x1E00, s6;
	s5 =	sadd.s32 $0x1000, s6  }
0xb: {  	s9 =	sshrl.u32 s7, $0x1;
	s6 =	sadd.s32 $0xE00, s6;
	s10 =	sadd.s32 $0x7D, s8  }
0xc: {  	s9 =	ssub.s32 s7, s9;
	s7 =	sshrl.u32 s8, $0x5;
	s8 =	sshrl.u32 s10, $0x5  }
0xd: {  	s9 =	smax.u32 s9, $0x1;
	s10 =	simm.s32 $0x6400;
	p0 =	sge.u32 s7, s8  }
.LBB2_12:
0xe: {  	s17 =	sadd.s32 $0x1, s17  }
0xf: {  	p1 =	sne.s32 s17, s9  }
.Ltmp1:
0x10: {  	_ = 	snop;
	(pc) =	sbr.rel @!p1 .LBB2_13-.Ltmp1, $4  }
0x11: {  	_ = 	snop  }
0x12: {  	_ =	swait.ge [sflag:s16], $0x2800  }
0x13: {  	[sflag:s16] =	ssyncset.done $0x0  }
0x14: {  	[sflag:s16] =	ssyncadd.s32 $0xFFFFD800  }
.LBB2_1:
0x15: {  	[tilespmem:s10], [sflag:$0x2] =	stream.linear.gather [hbm4b:s6+s3], $0x3F0, $0x38;
	[tilespmem:$0xDB60] =	vst v63  }
0x16: {  	_ = 	snop  }
0x17: {  	[tilespmem:s3], [sflag:$0x2] =	stream.linear.gather [hbm4b:s5+s3], $0x6400, $0x38;
	[tilespmem:$0xDB60] =	vst v63  }
0x18: {  	_ =	swait.ge [sflag:s11], $0x3F0  }
.Ltmp2:
0x19: {  	[sflag:s11] =	ssyncset.done $0x0;
	(pc) =	sbr.rel @p0 .LBB2_12-.Ltmp2, $4  }
0x1a: {  	[sflag:s11] =	ssyncadd.s32 $0xFFFFFC10  }
0x1b: {  	_ =	swait.ge [sflag:s11], $0x6400  }
0x1c: {  	[sflag:s11] =	ssyncset.done $0x0  }
0x1d: {  	[sflag:s11] =	ssyncadd.s32 $0xFFFF9C00  }
0x1e: {  	s18 =	smov.u32 s7  }
.LBB2_3:
0x1f: {  	s19 =	simm.s32 $0x6420  }
0x20: {  	v3 =	vld [tilespmem:s19+$0xFFFFFFE0]  }
0x21: {  	v0 =	vld [tilespmem:s19+$0x10]  }
0x22: {  	v2 =	vld [tilespmem:s19+$0x0]  }
0x23: {  	v4 =	vld [tilespmem:s19+$0xFFFFFFF0];
	_ =	sdelay $0x2  }
0x24: {  	s19 =	simm.s32 $0x6460;
	v5 =	vmul.u32 $0x7D, v0  }
0x25: {  	v1 =	vld [tilespmem:s19+$0xFFFFFFE0];
	v0 =	vmov s18;
	v6 =	vmul.u32 $0x7D, v2  }
0x26: {  	s20 =	simm.s32 $0x6810;
	v2 =	vld [tilespmem:s19+$0x10];
	v7 =	vmul.u32 $0x7D, v3;
	v8 =	vmul.u32 $0x7D, v4;
	v4 =	vadd.s32 v0, v5  }
0x27: {  	v3 =	vld [tilespmem:s19+$0x0];
	v9 =	vadd.s32 v0, v6;
	[tilespmem:s20+$0x10] =	vst v4  }
0x28: {  	s21 =	simm.s32 $0x4;
	s22 =	simm.s32 $0x6810;
	v5 =	vadd.s32 v0, v7;
	v6 =	vadd.s32 v0, v8;
	v4 =	vld [tilespmem:s19+$0xFFFFFFF0];
	[tilespmem:s20+$0x0] =	vst v9  }
.LBB2_4:
0x29: {  	s21 =	sadd.s32 $0x4, s21  }
0x2a: {  	s19 =	sadd.s32 $0x40, s19;
	[tilespmem:s20+$0xFFFFFFF0] =	vst v6;
	s22 =	sadd.s32 $0x40, s22;
	v6 =	vmov v1;
	p1 =	slt.u32 s21, $0x38  }
.Ltmp3:
0x2b: {  	v1 =	vld [tilespmem:s19+$0xFFFFFFE0];
	v7 =	vmul.u32 $0x7D, v2;
	[tilespmem:s20+$0xFFFFFFE0] =	vst v5;
	s20 =	smov.u32 s22;
	(pc) =	sbr.rel @p1 .LBB2_4-.Ltmp3, $4  }
0x2c: {  	v2 =	vld [tilespmem:s19+$0x10];
	v5 =	vmul.u32 $0x7D, v3  }
0x2d: {  	v6 =	vmul.u32 $0x7D, v6;
	v3 =	vld [tilespmem:s19+$0x0];
	v8 =	vmul.u32 $0x7D, v4;
	v7 =	vadd.s32 v0, v7  }
0x2e: {  	v4 =	vld [tilespmem:s19+$0xFFFFFFF0];
	v9 =	vadd.s32 v0, v5;
	[tilespmem:s22+$0x10] =	vst v7  }
0x2f: {  	v5 =	vadd.s32 v0, v6;
	v6 =	vadd.s32 v0, v8;
	[tilespmem:s22+$0x0] =	vst v9  }
0x30: {  	v1 =	vmul.u32 $0x7D, v1  }
0x31: {  	[tilespmem:s20+$0xFFFFFFF0] =	vst v6;
	v2 =	vmul.u32 $0x7D, v2  }
0x32: {  	s21 =	sadd.s32 $0x40, s22;
	[tilespmem:s20+$0xFFFFFFE0] =	vst v5;
	v3 =	vmul.u32 $0x7D, v3;
	v1 =	vadd.s32 v0, v1  }
0x33: {  	v4 =	vmul.u32 $0x7D, v4;
	v2 =	vadd.s32 v0, v2;
	[tilespmem:s21+$0xFFFFFFE0] =	vst v1  }
0x34: {  	v3 =	vadd.s32 v0, v3;
	[tilespmem:s21+$0x10] =	vst v2  }
0x35: {  	v2 =	vadd.s32 v0, v4;
	[tilespmem:s21+$0x0] =	vst v3  }
0x36: {  	s19 =	simm.s32 $0x0;
	[tilespmem:s21+$0xFFFFFFF0] =	vst v2  }
.LBB2_6:
0x37: {  	s20 =	sshra.s32 s19, $0x2  }
0x38: {  	v1 =	vld [tilespmem:s20+$0x67C0];
	_ =	sdelay $0x2  }
0x39: {  	p1 =	sne.s32 s19, $0x80  }
.Ltmp4:
0x3a: {  	_ = 	snop;
	(pc) =	sbr.rel @p1 .LBB2_6-.Ltmp4, $3  }
0x3b: {  	v1 =	vmul.u32 $0x7D, v1;
	_ =	sdelay $0x1  }
0x3c: {  	v1 =	vadd.s32 v0, v1  }
0x3d: {  	s19 =	sadd.s32 $0x40, s19;
	[tilespmem:s20+$0x6BB0] =	vst v1  }
0x3e: {  	[tilespmem:s14], [sflag:$0x3] =	stream.indirect.gather [hbm4b:s4+s12], $0x8, s13, s12, $0xb8;
	[tilespmem:$0xDB60] =	vst v63  }
0x3f: {  	_ =	swait.ge [sflag:s15], $0x1F80  }
0x40: {  	s19 =	smul.u32 $0x32000, s18;
	s20 =	simm.s32 $0x0;
	[sflag:s15] =	ssyncset.done $0x0  }
0x41: {  	s21 =	simm.s32 $0x40;
	p1 =	sgt.u32 s18, s7;
	[sflag:s15] =	ssyncadd.s32 $0xFFFFE080  }
.LBB2_8:
0x42: {  	v0 =	vld [tilespmem:s21+$0x30]  }
0x43: {  	v1 =	vld [tilespmem:s21+$0xFFFFFFD0]  }
0x44: {  	v2 =	vld [tilespmem:s21+$0xFFFFFFE0]  }
0x45: {  	v3 =	vld [tilespmem:s21+$0xFFFFFFF0]  }
0x46: {  	v6 =	vld [tilespmem:s21+$0x0]  }
0x47: {  	v8 =	vld [tilespmem:s21+$0x10];
	v7 =	vshll.u32 v0, $0x3  }
0x48: {  	v9 =	vld [tilespmem:s21+$0xFFFFFFC0];
	v5 =	vshll.u32 v1, $0x3  }
0x49: {  	v1 =	vld [tilespmem:s21+$0x20];
	v4 =	vshll.u32 v2, $0x3  }
0x4a: {  	v3 =	vshll.u32 v3, $0x3  }
0x4b: {  	v2 =	vshll.u32 v6, $0x3  }
0x4c: {  	v0 =	vshll.u32 v8, $0x3;
	v8 =	vld.idx.msk [tilespmem:v7+s14+$0x0], $0xffff  }
0x4d: {  	v6 =	vshll.u32 v9, $0x3;
	v10 =	vld.idx.msk [tilespmem:v5+s14+$0x0], $0xffff  }
0x4e: {  	s22 =	sand.u32 $0x1, s20;
	v1 =	vshll.u32 v1, $0x3;
	v11 =	vld.idx.msk [tilespmem:v4+s14+$0x0], $0xffff  }
0x4f: {  	s23 =	simm.s32 $0x2800;
	p2 =	seq.s32 s22, $0x1;
	v12 =	vor.u32 $0x1, v7;
	v9 =	vld.idx.msk [tilespmem:v3+s14+$0x0], $0xffff  }
0x50: {  	s23 =	simm.s32 @!p2 $0x0;
	v13 =	vor.u32 $0x1, v5;
	v14 =	vld.idx.msk [tilespmem:v2+s14+$0x0], $0xffff  }
0x51: {  	s22 =	sadd.s32 $0x8D60, s23;
	v15 =	vor.u32 $0x1, v4;
	v16 =	vld.idx.msk [tilespmem:v0+s14+$0x0], $0xffff  }
0x52: {  	v17 =	vor.u32 $0x1, v3;
	v19 =	vld.idx.msk [tilespmem:v6+s14+$0x0], $0xffff;
	[tilespmem:s22+$0xFFFFFE70] =	vst v8  }
0x53: {  	v26 =	vor.u32 $0x1, v0;
	v18 =	vld.idx.msk [tilespmem:v1+s14+$0x0], $0xffff;
	[tilespmem:s22+$0xFFFFFE10] =	vst v10  }
0x54: {  	v27 =	vor.u32 $0x1, v6;
	[tilespmem:s22+$0xFFFFFE20] =	vst v11;
	v10 =	vld.idx.msk [tilespmem:v12+s14+$0x0], $0xffff  }
0x55: {  	v8 =	vor.u32 $0x1, v2;
	[tilespmem:s22+$0xFFFFFE30] =	vst v9;
	v11 =	vld.idx.msk [tilespmem:v13+s14+$0x0], $0xffff  }
0x56: {  	v28 =	vor.u32 $0x1, v1;
	[tilespmem:s22+$0xFFFFFE40] =	vst v14;
	v15 =	vld.idx.msk [tilespmem:v15+s14+$0x0], $0xffff  }
0x57: {  	v9 =	vor.u32 $0x2, v7;
	[tilespmem:s22+$0xFFFFFE50] =	vst v16;
	v17 =	vld.idx.msk [tilespmem:v17+s14+$0x0], $0xffff  }
0x58: {  	v29 =	vor.u32 $0x2, v5;
	[tilespmem:s22+$0xFFFFFE00] =	vst v19;
	v12 =	vld.idx.msk [tilespmem:v26+s14+$0x0], $0xffff  }
0x59: {  	v30 =	vor.u32 $0x2, v4;
	v13 =	vld.idx.msk [tilespmem:v27+s14+$0x0], $0xffff;
	[tilespmem:s22+$0xFFFFFE60] =	vst v18  }
0x5a: {  	v33 =	vor.u32 $0x2, v6;
	v8 =	vld.idx.msk [tilespmem:v8+s14+$0x0], $0xffff;
	[tilespmem:s22+$0xFFFFFEF0] =	vst v10  }
0x5b: {  	v10 =	vor.u32 $0x2, v3;
	[tilespmem:s22+$0xFFFFFE90] =	vst v11;
	v11 =	vld.idx.msk [tilespmem:v28+s14+$0x0], $0xffff  }
0x5c: {  	v31 =	vor.u32 $0x2, v2;
	[tilespmem:s22+$0xFFFFFEA0] =	vst v15;
	v9 =	vld.idx.msk [tilespmem:v9+s14+$0x0], $0xffff  }
0x5d: {  	v34 =	vor.u32 $0x2, v0;
	[tilespmem:s22+$0xFFFFFEB0] =	vst v17;
	v16 =	vld.idx.msk [tilespmem:v29+s14+$0x0], $0xffff  }
0x5e: {  	v32 =	vor.u32 $0x3, v7;
	[tilespmem:s22+$0xFFFFFE80] =	vst v13;
	v18 =	vld.idx.msk [tilespmem:v30+s14+$0x0], $0xffff  }
0x5f: {  	v35 =	vor.u32 $0x3, v5;
	[tilespmem:s22+$0xFFFFFED0] =	vst v12;
	v15 =	vld.idx.msk [tilespmem:v33+s14+$0x0], $0xffff  }
0x60: {  	v39 =	vor.u32 $0x3, v6;
	[tilespmem:s22+$0xFFFFFEC0] =	vst v8;
	v10 =	vld.idx.msk [tilespmem:v10+s14+$0x0], $0xffff  }
0x61: {  	v8 =	vor.u32 $0x2, v1;
	v19 =	vld.idx.msk [tilespmem:v31+s14+$0x0], $0xffff;
	[tilespmem:s22+$0xFFFFFEE0] =	vst v11  }
0x62: {  	v11 =	vld.idx.msk [tilespmem:v34+s14+$0x0], $0xffff;
	[tilespmem:s22+$0xFFFFFF70] =	vst v9;
	v9 =	vor.u32 $0x3, v4  }
0x63: {  	v37 =	vor.u32 $0x3, v3;
	[tilespmem:s22+$0xFFFFFF10] =	vst v16;
	v36 =	vld.idx.msk [tilespmem:v32+s14+$0x0], $0xffff  }
0x64: {  	v40 =	vor.u32 $0x3, v2;
	[tilespmem:s22+$0xFFFFFF00] =	vst v15;
	v12 =	vld.idx.msk [tilespmem:v35+s14+$0x0], $0xffff  }
0x65: {  	v38 =	vor.u32 $0x4, v7;
	[tilespmem:s22+$0xFFFFFF20] =	vst v18;
	v17 =	vld.idx.msk [tilespmem:v39+s14+$0x0], $0xffff  }
0x66: {  	v42 =	vor.u32 $0x4, v5;
	v8 =	vld.idx.msk [tilespmem:v8+s14+$0x0], $0xffff;
	[tilespmem:s22+$0xFFFFFF30] =	vst v10  }
0x67: {  	v45 =	vor.u32 $0x4, v6;
	[tilespmem:s22+$0xFFFFFF40] =	vst v19;
	v9 =	vld.idx.msk [tilespmem:v9+s14+$0x0], $0xffff  }
0x68: {  	v10 =	vor.u32 $0x3, v0;
	[tilespmem:s22+$0xFFFFFF50] =	vst v11;
	v14 =	vld.idx.msk [tilespmem:v37+s14+$0x0], $0xffff  }
0x69: {  	v41 =	vor.u32 $0x3, v1;
	v11 =	vld.idx.msk [tilespmem:v40+s14+$0x0], $0xffff;
	[tilespmem:s22+$0xFFFFFFF0] =	vst v36  }
0x6a: {  	v44 =	vor.u32 $0x4, v4;
	[tilespmem:s22+$0xFFFFFF90] =	vst v12;
	v43 =	vld.idx.msk [tilespmem:v38+s14+$0x0], $0xffff  }
0x6b: {  	v46 =	vor.u32 $0x4, v3;
	[tilespmem:s22+$0xFFFFFF80] =	vst v17;
	v13 =	vld.idx.msk [tilespmem:v42+s14+$0x0], $0xffff  }
0x6c: {  	v47 =	vor.u32 $0x4, v2;
	v18 =	vld.idx.msk [tilespmem:v45+s14+$0x0], $0xffff;
	[tilespmem:s22+$0xFFFFFF60] =	vst v8  }
0x6d: {  	v8 =	vor.u32 $0x5, v7;
	v10 =	vld.idx.msk [tilespmem:v10+s14+$0x0], $0xffff;
	[tilespmem:s22+$0xFFFFFFA0] =	vst v9  }
0x6e: {  	v50 =	vor.u32 $0x5, v5;
	v9 =	vld.idx.msk [tilespmem:v41+s14+$0x0], $0xffff;
	[tilespmem:s22+$0xFFFFFFB0] =	vst v14  }
0x6f: {  	v51 =	vor.u32 $0x5, v6;
	[tilespmem:s22+$0xFFFFFFC0] =	vst v11;
	v16 =	vld.idx.msk [tilespmem:v44+s14+$0x0], $0xffff  }
0x70: {  	v48 =	vor.u32 $0x4, v0;
	v11 =	vld.idx.msk [tilespmem:v46+s14+$0x0], $0xffff;
	[tilespmem:s22+$0x70] =	vst v43  }
0x71: {  	v49 =	vor.u32 $0x4, v1;
	v19 =	vld.idx.msk [tilespmem:v47+s14+$0x0], $0xffff;
	[tilespmem:s22+$0x10] =	vst v13  }
0x72: {  	v53 =	vor.u32 $0x5, v3;
	[tilespmem:s22+$0x0] =	vst v18;
	v8 =	vld.idx.msk [tilespmem:v8+s14+$0x0], $0xffff  }
0x73: {  	v54 =	vor.u32 $0x5, v2;
	v17 =	vld.idx.msk [tilespmem:v50+s14+$0x0], $0xffff;
	[tilespmem:s22+$0xFFFFFFD0] =	vst v10  }
0x74: {  	v12 =	vld.idx.msk [tilespmem:v51+s14+$0x0], $0xffff;
	v10 =	vor.u32 $0x6, v7;
	[tilespmem:s22+$0xFFFFFFE0] =	vst v9  }
0x75: {  	v56 =	vor.u32 $0x6, v5;
	v52 =	vld.idx.msk [tilespmem:v48+s14+$0x0], $0xffff;
	[tilespmem:s22+$0x20] =	vst v16  }
0x76: {  	v9 =	vor.u32 $0x5, v4;
	v15 =	vld.idx.msk [tilespmem:v49+s14+$0x0], $0xffff;
	[tilespmem:s22+$0x30] =	vst v11  }
0x77: {  	[tilespmem:s22+$0x40] =	vst v19;
	v11 =	vor.u32 $0x6, v6;
	v14 =	vld.idx.msk [tilespmem:v53+s14+$0x0], $0xffff  }
0x78: {  	v55 =	vor.u32 $0x5, v1;
	v16 =	vld.idx.msk [tilespmem:v54+s14+$0x0], $0xffff;
	[tilespmem:s22+$0xF0] =	vst v8  }
0x79: {  	v8 =	vor.u32 $0x5, v0;
	[tilespmem:s22+$0x90] =	vst v17;
	v10 =	vld.idx.msk [tilespmem:v10+s14+$0x0], $0xffff  }
0x7a: {  	v58 =	vor.u32 $0x6, v3;
	[tilespmem:s22+$0x80] =	vst v12;
	v13 =	vld.idx.msk [tilespmem:v56+s14+$0x0], $0xffff  }
0x7b: {  	v7 =	vor.u32 $0x7, v7;
	v9 =	vld.idx.msk [tilespmem:v9+s14+$0x0], $0xffff;
	[tilespmem:s22+$0x50] =	vst v52  }
0x7c: {  	v57 =	vor.u32 $0x6, v4;
	[tilespmem:s22+$0x60] =	vst v15;
	v11 =	vld.idx.msk [tilespmem:v11+s14+$0x0], $0xffff  }
0x7d: {  	v6 =	vor.u32 $0x7, v6;
	v18 =	vld.idx.msk [tilespmem:v55+s14+$0x0], $0xffff;
	[tilespmem:s22+$0xB0] =	vst v14  }
0x7e: {  	v8 =	vld.idx.msk [tilespmem:v8+s14+$0x0], $0xffff;
	[tilespmem:s22+$0x170] =	vst v10;
	v10 =	vor.u32 $0x6, v2  }
0x7f: {  	v59 =	vor.u32 $0x6, v0;
	[tilespmem:s22+$0xC0] =	vst v16;
	v61 =	vld.idx.msk [tilespmem:v58+s14+$0x0], $0xffff  }
0x80: {  	v7 =	vld.idx.msk [tilespmem:v7+s14+$0x0], $0xffff;
	[tilespmem:s22+$0xA0] =	vst v9;
	v9 =	vor.u32 $0x6, v1  }
0x81: {  	v5 =	vor.u32 $0x7, v5;
	v60 =	vld.idx.msk [tilespmem:v57+s14+$0x0], $0xffff;
	[tilespmem:s22+$0x100] =	vst v11  }
0x82: {  	v62 =	vor.u32 $0x7, v3;
	v4 =	vor.u32 $0x7, v4;
	[tilespmem:s22+$0x110] =	vst v13;
	v3 =	vld.idx.msk [tilespmem:v6+s14+$0x0], $0xffff  }
0x83: {  	[tilespmem:s22+$0xD0] =	vst v8;
	v10 =	vld.idx.msk [tilespmem:v10+s14+$0x0], $0xffff  }
0x84: {  	v63 =	vor.u32 $0x7, v2;
	[tilespmem:s22+$0xE0] =	vst v18;
	v12 =	vld.idx.msk [tilespmem:v59+s14+$0x0], $0xffff  }
0x85: {  	[tilespmem:s22+$0x1F0] =	vst v7;
	v8 =	vld.idx.msk [tilespmem:v9+s14+$0x0], $0xffff  }
0x86: {  	v7 =	vld.idx.msk [tilespmem:v5+s14+$0x0], $0xffff;
	[tilespmem:s22+$0x120] =	vst v60  }
0x87: {  	[tilespmem:s22+$0x130] =	vst v61;
	v5 =	vld.idx.msk [tilespmem:v4+s14+$0x0], $0xffff  }
0x88: {  	v4 =	vld.idx.msk [tilespmem:v62+s14+$0x0], $0xffff;
	[tilespmem:s22+$0x140] =	vst v10  }
0x89: {  	s24 =	simm.s32 $0x0;
	s25 =	sadd.s32 $0x80, s21;
	s23 =	sadd.s32 $0x8B60, s23;
	v2 =	vor.u32 $0x7, v0;
	v1 =	vor.u32 $0x7, v1;
	[tilespmem:s22+$0x150] =	vst v12;
	v6 =	vld.idx.msk [tilespmem:v63+s14+$0x0], $0xffff  }
.LBB2_9:
0x8a: {  	v0 =	vld [tilespmem:s25+$0x30];
	s24 =	sadd.s32 $0x8, s24;
	[tilespmem:s22+$0x160] =	vst v8  }
0x8b: {  	v8 =	vld [tilespmem:s25+$0xFFFFFFD0];
	p2 =	slt.u32 s24, $0x48;
	[tilespmem:s22+$0x180] =	vst v3  }
0x8c: {  	v3 =	vld [tilespmem:s25+$0xFFFFFFE0];
	[tilespmem:s22+$0x190] =	vst v7  }
0x8d: {  	v7 =	vld [tilespmem:s25+$0xFFFFFFF0];
	[tilespmem:s22+$0x1A0] =	vst v5  }
0x8e: {  	v5 =	vld [tilespmem:s25+$0x0];
	[tilespmem:s22+$0x1B0] =	vst v4  }
0x8f: {  	v4 =	vld [tilespmem:s25+$0x10];
	v0 =	vshll.u32 v0, $0x3;
	[tilespmem:s22+$0x1C0] =	vst v6  }
0x90: {  	v6 =	vshll.u32 v8, $0x3;
	v8 =	vld [tilespmem:s25+$0x20]  }
0x91: {  	v9 =	vld [tilespmem:s25+$0xFFFFFFC0];
	v10 =	vor.u32 $0x1, v6;
	v17 =	vor.u32 $0x2, v6;
	v18 =	vshll.u32 v3, $0x3  }
0x92: {  	v3 =	vor.u32 $0x1, v18;
	v19 =	vor.u32 $0x2, v18;
	v20 =	vshll.u32 v7, $0x3;
	v2 =	vld.idx.msk [tilespmem:v2+s14+$0x0], $0xffff  }
0x93: {  	v7 =	vor.u32 $0x1, v20;
	v21 =	vor.u32 $0x2, v20;
	v22 =	vshll.u32 v5, $0x3;
	v1 =	vld.idx.msk [tilespmem:v1+s14+$0x0], $0xffff  }
0x94: {  	v5 =	vor.u32 $0x1, v22;
	v23 =	vor.u32 $0x2, v22;
	v24 =	vshll.u32 v4, $0x3;
	v4 =	vld.idx.msk [tilespmem:v0+s14+$0x0], $0xffff  }
0x95: {  	v11 =	vld.idx.msk [tilespmem:v6+s14+$0x0], $0xffff;
	v12 =	vor.u32 $0x1, v24;
	v25 =	vor.u32 $0x2, v24;
	v26 =	vshll.u32 v8, $0x3  }
0x96: {  	v13 =	vor.u32 $0x1, v0;
	v8 =	vshll.u32 v9, $0x3;
	v9 =	vld.idx.msk [tilespmem:v18+s14+$0x0], $0xffff;
	v27 =	vor.u32 $0x1, v26  }
0x97: {  	v30 =	vor.u32 $0x2, v26;
	v28 =	vor.u32 $0x1, v8;
	v29 =	vor.u32 $0x2, v8;
	v14 =	vld.idx.msk [tilespmem:v20+s14+$0x0], $0xffff  }
0x98: {  	v32 =	vor.u32 $0x3, v6;
	v33 =	vor.u32 $0x3, v18;
	v31 =	vor.u32 $0x3, v8;
	v16 =	vld.idx.msk [tilespmem:v22+s14+$0x0], $0xffff;
	[tilespmem:s22+$0x1D0] =	vst v2  }
0x99: {  	v34 =	vor.u32 $0x3, v20;
	v35 =	vor.u32 $0x3, v22;
	v36 =	vor.u32 $0x3, v24;
	v2 =	vld.idx.msk [tilespmem:v24+s14+$0x0], $0xffff;
	[tilespmem:s22+$0x1E0] =	vst v1;
	s22 =	sadd.s32 $0x400, s22  }
0x9a: {  	v38 =	vor.u32 $0x4, v6;
	v39 =	vor.u32 $0x3, v26;
	v37 =	vor.u32 $0x4, v8;
	v1 =	vld.idx.msk [tilespmem:v26+s14+$0x0], $0xffff;
	[tilespmem:s22+$0xFFFFFE70] =	vst v4  }
0x9b: {  	v40 =	vor.u32 $0x4, v18;
	v41 =	vor.u32 $0x4, v20;
	v42 =	vor.u32 $0x4, v22;
	[tilespmem:s22+$0xFFFFFE10] =	vst v11;
	v4 =	vld.idx.msk [tilespmem:v13+s14+$0x0], $0xffff  }
0x9c: {  	v44 =	vor.u32 $0x4, v24;
	v45 =	vor.u32 $0x4, v26;
	v15 =	vor.u32 $0x5, v8;
	v43 =	vld.idx.msk [tilespmem:v8+s14+$0x0], $0xffff;
	[tilespmem:s22+$0xFFFFFE20] =	vst v9  }
0x9d: {  	v49 =	vor.u32 $0x2, v0;
	v47 =	vor.u32 $0x5, v6;
	v48 =	vor.u32 $0x5, v18;
	v46 =	vld.idx.msk [tilespmem:v10+s14+$0x0], $0xffff;
	[tilespmem:s22+$0xFFFFFE30] =	vst v14  }
0x9e: {  	v51 =	vor.u32 $0x5, v20;
	v52 =	vor.u32 $0x5, v22;
	v50 =	vld.idx.msk [tilespmem:v3+s14+$0x0], $0xffff;
	[tilespmem:s22+$0xFFFFFE40] =	vst v16;
	v16 =	vor.u32 $0x5, v24  }
0x9f: {  	v54 =	vor.u32 $0x5, v26;
	v13 =	vor.u32 $0x6, v8;
	v10 =	vor.u32 $0x6, v6;
	v53 =	vld.idx.msk [tilespmem:v7+s14+$0x0], $0xffff;
	[tilespmem:s22+$0xFFFFFE50] =	vst v2  }
0xa0: {  	v11 =	vor.u32 $0x6, v20;
	v9 =	vor.u32 $0x6, v22;
	v14 =	vor.u32 $0x6, v18;
	v55 =	vld.idx.msk [tilespmem:v5+s14+$0x0], $0xffff;
	[tilespmem:s22+$0xFFFFFE60] =	vst v1  }
0xa1: {  	v3 =	vor.u32 $0x7, v8;
	v8 =	vor.u32 $0x6, v26;
	v56 =	vld.idx.msk [tilespmem:v12+s14+$0x0], $0xffff;
	v12 =	vor.u32 $0x6, v24;
	[tilespmem:s22+$0xFFFFFEF0] =	vst v4  }
0xa2: {  	v7 =	vor.u32 $0x7, v6;
	v5 =	vor.u32 $0x7, v18;
	v4 =	vor.u32 $0x7, v20;
	[tilespmem:s22+$0xFFFFFE00] =	vst v43;
	v18 =	vld.idx.msk [tilespmem:v49+s14+$0x0], $0xffff  }
0xa3: {  	v6 =	vor.u32 $0x7, v22;
	v2 =	vor.u32 $0x7, v24;
	v1 =	vor.u32 $0x7, v26;
	v20 =	vld.idx.msk [tilespmem:v28+s14+$0x0], $0xffff;
	[tilespmem:s22+$0xFFFFFE90] =	vst v46  }
0xa4: {  	v24 =	vor.u32 $0x3, v0;
	[tilespmem:s22+$0xFFFFFEA0] =	vst v50;
	v22 =	vld.idx.msk [tilespmem:v27+s14+$0x0], $0xffff  }
0xa5: {  	v17 =	vld.idx.msk [tilespmem:v17+s14+$0x0], $0xffff;
	[tilespmem:s22+$0xFFFFFEB0] =	vst v53  }
0xa6: {  	v19 =	vld.idx.msk [tilespmem:v19+s14+$0x0], $0xffff;
	[tilespmem:s22+$0xFFFFFEC0] =	vst v55  }
0xa7: {  	v21 =	vld.idx.msk [tilespmem:v21+s14+$0x0], $0xffff;
	[tilespmem:s22+$0xFFFFFED0] =	vst v56  }
0xa8: {  	v23 =	vld.idx.msk [tilespmem:v23+s14+$0x0], $0xffff;
	[tilespmem:s22+$0xFFFFFF70] =	vst v18  }
0xa9: {  	[tilespmem:s22+$0xFFFFFE80] =	vst v20;
	v18 =	vld.idx.msk [tilespmem:v24+s14+$0x0], $0xffff  }
0xaa: {  	v20 =	vld.idx.msk [tilespmem:v29+s14+$0x0], $0xffff;
	[tilespmem:s22+$0xFFFFFEE0] =	vst v22  }
0xab: {  	v22 =	vor.u32 $0x4, v0;
	[tilespmem:s22+$0xFFFFFF10] =	vst v17;
	v17 =	vld.idx.msk [tilespmem:v25+s14+$0x0], $0xffff  }
0xac: {  	[tilespmem:s22+$0xFFFFFF20] =	vst v19;
	v19 =	vld.idx.msk [tilespmem:v30+s14+$0x0], $0xffff  }
0xad: {  	v24 =	vld.idx.msk [tilespmem:v32+s14+$0x0], $0xffff;
	[tilespmem:s22+$0xFFFFFF30] =	vst v21  }
0xae: {  	v21 =	vld.idx.msk [tilespmem:v33+s14+$0x0], $0xffff;
	[tilespmem:s22+$0xFFFFFF40] =	vst v23  }
0xaf: {  	v23 =	vld.idx.msk [tilespmem:v34+s14+$0x0], $0xffff;
	[tilespmem:s22+$0xFFFFFFF0] =	vst v18  }
0xb0: {  	[tilespmem:s22+$0xFFFFFF00] =	vst v20;
	v18 =	vld.idx.msk [tilespmem:v22+s14+$0x0], $0xffff  }
0xb1: {  	v20 =	vld.idx.msk [tilespmem:v31+s14+$0x0], $0xffff;
	[tilespmem:s22+$0xFFFFFF50] =	vst v17  }
0xb2: {  	v17 =	vld.idx.msk [tilespmem:v35+s14+$0x0], $0xffff;
	[tilespmem:s22+$0xFFFFFF60] =	vst v19;
	v19 =	vor.u32 $0x5, v0  }
0xb3: {  	[tilespmem:s22+$0xFFFFFF90] =	vst v24;
	v22 =	vld.idx.msk [tilespmem:v36+s14+$0x0], $0xffff  }
0xb4: {  	[tilespmem:s22+$0xFFFFFFA0] =	vst v21;
	v21 =	vld.idx.msk [tilespmem:v39+s14+$0x0], $0xffff  }
0xb5: {  	v24 =	vld.idx.msk [tilespmem:v38+s14+$0x0], $0xffff;
	[tilespmem:s22+$0xFFFFFFB0] =	vst v23  }
0xb6: {  	v23 =	vld.idx.msk [tilespmem:v40+s14+$0x0], $0xffff;
	[tilespmem:s22+$0x70] =	vst v18  }
0xb7: {  	[tilespmem:s22+$0xFFFFFF80] =	vst v20;
	v18 =	vld.idx.msk [tilespmem:v19+s14+$0x0], $0xffff  }
0xb8: {  	v19 =	vld.idx.msk [tilespmem:v37+s14+$0x0], $0xffff;
	[tilespmem:s22+$0xFFFFFFC0] =	vst v17  }
0xb9: {  	v20 =	vor.u32 $0x6, v0;
	v17 =	vld.idx.msk [tilespmem:v41+s14+$0x0], $0xffff;
	[tilespmem:s22+$0xFFFFFFD0] =	vst v22  }
0xba: {  	v22 =	vld.idx.msk [tilespmem:v42+s14+$0x0], $0xffff;
	[tilespmem:s22+$0xFFFFFFE0] =	vst v21  }
0xbb: {  	[tilespmem:s22+$0x10] =	vst v24;
	v21 =	vld.idx.msk [tilespmem:v44+s14+$0x0], $0xffff  }
0xbc: {  	[tilespmem:s22+$0x20] =	vst v23;
	v23 =	vld.idx.msk [tilespmem:v45+s14+$0x0], $0xffff  }
0xbd: {  	v24 =	vld.idx.msk [tilespmem:v47+s14+$0x0], $0xffff;
	[tilespmem:s22+$0xF0] =	vst v18  }
0xbe: {  	[tilespmem:s22+$0x0] =	vst v19;
	v18 =	vld.idx.msk [tilespmem:v20+s14+$0x0], $0xffff  }
0xbf: {  	v15 =	vld.idx.msk [tilespmem:v15+s14+$0x0], $0xffff;
	[tilespmem:s22+$0x30] =	vst v17  }
0xc0: {  	v0 =	vor.u32 $0x7, v0;
	v17 =	vld.idx.msk [tilespmem:v48+s14+$0x0], $0xffff;
	[tilespmem:s22+$0x40] =	vst v22  }
0xc1: {  	v19 =	vld.idx.msk [tilespmem:v51+s14+$0x0], $0xffff;
	[tilespmem:s22+$0x50] =	vst v21  }
0xc2: {  	v20 =	vld.idx.msk [tilespmem:v52+s14+$0x0], $0xffff;
	[tilespmem:s22+$0x60] =	vst v23  }
0xc3: {  	[tilespmem:s22+$0x90] =	vst v24;
	v16 =	vld.idx.msk [tilespmem:v16+s14+$0x0], $0xffff  }
0xc4: {  	v21 =	vld.idx.msk [tilespmem:v54+s14+$0x0], $0xffff;
	[tilespmem:s22+$0x170] =	vst v18  }
0xc5: {  	[tilespmem:s22+$0x80] =	vst v15;
	v0 =	vld.idx.msk [tilespmem:v0+s14+$0x0], $0xffff  }
0xc6: {  	v13 =	vld.idx.msk [tilespmem:v13+s14+$0x0], $0xffff;
	[tilespmem:s22+$0xA0] =	vst v17  }
0xc7: {  	v10 =	vld.idx.msk [tilespmem:v10+s14+$0x0], $0xffff;
	[tilespmem:s22+$0xB0] =	vst v19  }
0xc8: {  	v14 =	vld.idx.msk [tilespmem:v14+s14+$0x0], $0xffff;
	[tilespmem:s22+$0xC0] =	vst v20  }
0xc9: {  	v11 =	vld.idx.msk [tilespmem:v11+s14+$0x0], $0xffff;
	[tilespmem:s22+$0xD0] =	vst v16  }
0xca: {  	v9 =	vld.idx.msk [tilespmem:v9+s14+$0x0], $0xffff;
	[tilespmem:s22+$0xE0] =	vst v21  }
0xcb: {  	v12 =	vld.idx.msk [tilespmem:v12+s14+$0x0], $0xffff;
	[tilespmem:s22+$0x1F0] =	vst v0  }
0xcc: {  	[tilespmem:s22+$0x100] =	vst v13;
	v8 =	vld.idx.msk [tilespmem:v8+s14+$0x0], $0xffff  }
.Ltmp5:
0xcd: {  	v3 =	vld.idx.msk [tilespmem:v3+s14+$0x0], $0xffff;
	[tilespmem:s22+$0x110] =	vst v10;
	(pc) =	sbr.rel @p2 .LBB2_9-.Ltmp5, $4  }
0xce: {  	v7 =	vld.idx.msk [tilespmem:v7+s14+$0x0], $0xffff;
	[tilespmem:s22+$0x120] =	vst v14  }
0xcf: {  	v5 =	vld.idx.msk [tilespmem:v5+s14+$0x0], $0xffff;
	[tilespmem:s22+$0x130] =	vst v11  }
0xd0: {  	v4 =	vld.idx.msk [tilespmem:v4+s14+$0x0], $0xffff;
	[tilespmem:s22+$0x140] =	vst v9  }
0xd1: {  	s25 =	sadd.s32 $0x80, s25;
	v6 =	vld.idx.msk [tilespmem:v6+s14+$0x0], $0xffff;
	[tilespmem:s22+$0x150] =	vst v12  }
0xd2: {  	_ =	sdelay $0x2  }
0xd3: {  	[tilespmem:s22+$0x160] =	vst v8  }
0xd4: {  	[tilespmem:s22+$0x180] =	vst v3;
	v0 =	vld.idx.msk [tilespmem:v2+s14+$0x0], $0xffff  }
0xd5: {  	[tilespmem:s22+$0x190] =	vst v7;
	v1 =	vld.idx.msk [tilespmem:v1+s14+$0x0], $0xffff  }
0xd6: {  	[tilespmem:s22+$0x1A0] =	vst v5  }
0xd7: {  	[tilespmem:s22+$0x1B0] =	vst v4  }
0xd8: {  	[tilespmem:s22+$0x1C0] =	vst v6  }
0xd9: {  	p2 =	seq.s32 @!p1 s20, $0x0;
	[tilespmem:s22+$0x1D0] =	vst v0  }
0xda: {  	p2 =	por p1, !p2;
	[tilespmem:s22+$0x1E0] =	vst v1  }
0xdb: {  	_ =	swait.ge @p2 [sflag:s16], $0x2800  }
0xdc: {  	s31 =	smul.u32 $0x2800, s20;
	s20 =	sadd.s32 $0x1, s20;
	[sflag:s16] =	ssyncset.done @p2 $0x0  }
0xdd: {  	[sflag:s16] =	ssyncadd.s32 @p2 $0xFFFFD800;
	p2 =	sne.s32 s20, $0x14  }
.Ltmp6:
0xde: {  	_ = 	snop;
	(pc) =	sbr.rel @p2 .LBB2_8-.Ltmp6, $4  }
0xdf: {  	s22 =	sadd.s32 s19, s31  }
0xe0: {  	s22 =	sshrl.u32 s22, $0x3  }
0xe1: {  	s21 =	sadd.s32 $0x500, s21;
	s22 =	sadd.s32 s2, s22  }
0xe2: {  	[hbm4b:s22+s3] =	stream.linear.scatter [tilespmem:s23], [sflag:$0x1], $0x2800, $0x38;
	[tilespmem:$0xDB60] =	vst v63  }
0xe3: {  	s18 =	sadd.s32 $0x1, s18  }
0xe4: {  	p1 =	slt.u32 s18, s8  }
.Ltmp7:
0xe5: {  	_ = 	snop;
	(pc) =	sbr.rel @p1 .LBB2_3-.Ltmp7, $4  }
.Ltmp8:
0xe6: {  	_ = 	snop;
	(pc) =	sbr.rel @!p1 .LBB2_12-.Ltmp8, $4  }
0xe7: {  	_ = 	snop  }
0xe8: {  	_ = 	snop  }
0xe9: {  	_ = 	snop  }
0xea: {  	_ = 	snop  }
.LBB2_13:
0xeb: {  	_ =	sfence.sel $0x180000  }
0xec: {  	[bflag:$0x0] =	sbarrier.arrive $0xFFFF  }
0xed: {  	p0 =	sne.s32 s1, $0x0;
	_ =	strace $0x90000047  }
0xee: {  	s0 =	sadd.s32 @!p0 $0x100000, s0;
	[bflag:$0x2] =	sbarrier.arrive $0xFFFF  }
0xef: {  	[sflag:s0] =	ssyncadd.tile.s32 @!p0 $0x1;
	_ =	shalt  }
.Lfunc_end2:
_tile_overlayer_lowered:
.L_overlay_start_2:
0xf0: {  	(tag) =	ssettag $0x2  }
0xf1: {  	s0 =	rddreg [dreg:$0x0];
	s2 =	stileid.u32  }
0xf2: {  	s1 =	rddreg [dreg:$0x1];
	p0 =	sne.s32 s2, $0x0  }
0xf3: {  	s3 =	rddreg [dreg:$0x2];
	[bflag:$0x3] =	sbarrier.arrive $0xFFFF;
	s2 =	simm.s32 @!p0 $0x1C03  }
0xf4: {  	[timem:s3], [sflag:s2] =	dma.local @!p0 [hbm:s0], s1  }
0xf5: {  	s0 =	simm.s32 @!p0 $0x3  }
0xf6: {  	_ =	swait.ge @!p0 [sflag:s0], s1  }
0xf7: {  	s1 =	ssub.s32 @!p0 $0x0, s1;
	[sflag:s0] =	ssyncset.done @!p0 $0x0  }
0xf8: {  	[sflag:s0] =	ssyncadd.s32 @!p0 s1  }
0xf9: {  	[bflag:$0x3] =	sbarrier.arrive $0xFFFF  }
0xfa: {  	_ =	shalt  }

// kernel: kernel.9.cloned.1.call-start
scs
__scs_entry_jumppad:
0x0: {  	(pc) =	sbr.rel $0x88, $3  }
0x1: {  	(tag) =	ssettag $0x0;
	lr =	simm.s32 $0x1  }
0x2: {  	[smem:$0x3F9E] =	sst lr;
	_ =	strace $0xD0000000  }
0x3: {  	_ = 	snop  }
0x4: {  	_ = 	snop  }
0x5: {  	_ = 	snop  }
0x6: {  	_ = 	snop  }
0x7: {  	_ = 	snop  }
__scs_overlays_trampoline_lowered:
0x8: {  	[smem:$0x3FAD] =	sst s0  }
0x9: {  	[smem:$0x3FAE] =	sst s1  }
0xa: {  	[smem:$0x3FAF] =	sst s2  }
0xb: {  	[smem:$0x3FB0] =	sst s3  }
0xc: {  	[smem:$0x3FB1] =	sst s4  }
0xd: {  	[smem:$0x3FB2] =	sst s5  }
0xe: {  	[smem:$0x3FB3] =	sst s6  }
0xf: {  	[smem:$0x3FB4] =	sst s7  }
0x10: {  	[smem:$0x3FB5] =	sst s8  }
0x11: {  	[smem:$0x3FB6] =	sst s9;
	s0 =	simm.s32 @!p0 $0x0  }
0x12: {  	s1 =	sld [smem:$0x3F9C];
	s0 =	simm.s32 @p0 $0x1  }
0x13: {  	[smem:$0x3FB7] =	sst s0;
	s0 =	simm.s32 @!p1 $0x0  }
0x14: {  	s2 =	sld [smem:$0x3F9B];
	s0 =	simm.s32 @p1 $0x1  }
0x15: {  	[smem:$0x3FB8] =	sst s0;
	s0 =	simm.s32 @!p2 $0x0  }
0x16: {  	s3 =	sld [smem:$0x3FDB];
	s0 =	simm.s32 @p2 $0x1  }
0x17: {  	s4 =	simm.s32 $0x1BF5;
	[smem:$0x3FBA] =	sst s0  }
0x18: {  	s0 =	sld [smem:$0x3F9D];
	_ =	swait.ge [sflag:s4], $0x0  }
0x19: {  	s7 =	sld [smem:$0x3F9E]  }
0x1a: {  	s8 =	sadd.s32 $0xFFFFE003, lr  }
0x1b: {  	s9 =	sadd.s32 $0xFFFFFEF7, lr;
	s5 =	simm.s32 $0xFFFFFFFF;
	p2 =	slt.u32 s8, $0xFFFFF086  }
0x1c: {  	p1 =	slt.u32 s9, $0xF7A;
	s5 =	simm.s32 @!p2 $0x0  }
0x1d: {  	s5 =	simm.s32 @p1 $0x1;
	p0 =	seq.s32 s7, s2  }
0x1e: {  	s7 =	smul.u32 @!p0 $0xF7A, s2;
	p2 =	seq.s32 @!p0 s5, $0x0  }
0x1f: {  	s9 =	smul.u32 $0xF7A, s1;
	s8 =	simm.s32 @!p0 $0x1BF5;
	p2 =	por !p2, p0  }
0x20: {  	[sflag:s8] =	ssyncset.s32 @!p0 $0xFFFFF086;
	s6 =	sadd.s32 @!p0 s3, s7;
	s7 =	simm.s32 @!p0 $0x108  }
0x21: {  	s3 =	sadd.s32 s3, s9;
	s6 =	sadd.s32 @!p0 $0x88, s6;
	s7 =	simm.s32 @p2 $0x1082  }
0x22: {  	[simem:s7], [sflag:s8] =	dma.local @!p0 [hbm:s6], $0xF7A  }
0x23: {  	s9 =	sor.u32 $0xD0000000, s2;
	s6 =	simm.s32 $0x108;
	_ =	swait.ge @!p0 [sflag:s8], $0x0  }
0x24: {  	s3 =	sadd.s32 $0x88, s3;
	s6 =	simm.s32 @!p1 $0x1082;
	[sflag:s4] =	ssyncset.s32 $0xFFFFF086  }
0x25: {  	[simem:s6], [sflag:s4] =	dma.local [hbm:s3], $0xF7A  }
0x26: {  	[smem:$0x3F9E] =	sst s1;
	(tag) =	ssettag s2;
	_ =	strace s9  }
0x27: {  	s1 =	sld [smem:$0x3FAE]  }
0x28: {  	s2 =	sld [smem:$0x3FAF]  }
0x29: {  	s4 =	sld [smem:$0x3FB1]  }
0x2a: {  	p0 =	seq.s32 s5, $0x0;
	s5 =	sld [smem:$0x3FB2]  }
0x2b: {  	s6 =	sld [smem:$0x3FB3]  }
0x2c: {  	s7 =	sld [smem:$0x3FB4]  }
0x2d: {  	s3 =	simm.s32 $0x108;
	s8 =	sld [smem:$0x3FB5]  }
0x2e: {  	s3 =	simm.s32 @!p0 $0x1082;
	s9 =	sld [smem:$0x3FB6]  }
0x2f: {  	lr =	sadd.s32 s0, s3;
	s0 =	sld [smem:$0x3FAD]  }
0x30: {  	s3 =	sld [smem:$0x3FB0]  }
0x31: {  	[smem:$0x3FB9] =	sst s10  }
0x32: {  	s10 =	sld [smem:$0x3FB7];
	_ =	sdelay $0x3  }
0x33: {  	p0 =	seq.s32 s10, $0x1;
	s10 =	sld [smem:$0x3FB9];
	_ =	sdelay $0x3  }
0x34: {  	[smem:$0x3FB9] =	sst s10  }
0x35: {  	s10 =	sld [smem:$0x3FB8];
	_ =	sdelay $0x3  }
0x36: {  	p1 =	seq.s32 s10, $0x1;
	s10 =	sld [smem:$0x3FB9];
	_ =	sdelay $0x3  }
0x37: {  	[smem:$0x3FB9] =	sst s10  }
0x38: {  	s10 =	sld [smem:$0x3FBA]  }
0x39: {  	_ = 	snop;
	(pc) =	sbr.ind lr, $3  }
0x3a: {  	_ = 	snop  }
0x3b: {  	_ = 	snop  }
0x3c: {  	p2 =	seq.s32 s10, $0x1;
	s10 =	sld [smem:$0x3FB9]  }
0x3d: {  	_ =	shalt  }
0x3e: {  	_ =	shalt  }
0x3f: {  	_ =	shalt  }
0x40: {  	_ =	shalt  }
0x41: {  	_ =	shalt  }
0x42: {  	_ =	shalt  }
0x43: {  	_ =	shalt  }
0x44: {  	_ =	shalt  }
0x45: {  	_ =	shalt  }
0x46: {  	_ =	shalt  }
0x47: {  	_ =	shalt  }
0x48: {  	_ =	shalt  }
0x49: {  	_ =	shalt  }
0x4a: {  	_ =	shalt  }
0x4b: {  	_ =	shalt  }
0x4c: {  	_ =	shalt  }
0x4d: {  	_ =	shalt  }
0x4e: {  	_ =	shalt  }
0x4f: {  	_ =	shalt  }
0x50: {  	_ =	shalt  }
0x51: {  	_ =	shalt  }
0x52: {  	_ =	shalt  }
0x53: {  	_ =	shalt  }
0x54: {  	_ =	shalt  }
0x55: {  	_ =	shalt  }
0x56: {  	_ =	shalt  }
0x57: {  	_ =	shalt  }
0x58: {  	_ =	shalt  }
0x59: {  	_ =	shalt  }
0x5a: {  	_ =	shalt  }
0x5b: {  	_ =	shalt  }
0x5c: {  	_ =	shalt  }
0x5d: {  	_ =	shalt  }
0x5e: {  	_ =	shalt  }
0x5f: {  	_ =	shalt  }
0x60: {  	_ =	shalt  }
0x61: {  	_ =	shalt  }
0x62: {  	_ =	shalt  }
0x63: {  	_ =	shalt  }
0x64: {  	_ =	shalt  }
0x65: {  	_ =	shalt  }
0x66: {  	_ =	shalt  }
0x67: {  	_ =	shalt  }
0x68: {  	_ =	shalt  }
0x69: {  	_ =	shalt  }
0x6a: {  	_ =	shalt  }
0x6b: {  	_ =	shalt  }
0x6c: {  	_ =	shalt  }
0x6d: {  	_ =	shalt  }
0x6e: {  	_ =	shalt  }
0x6f: {  	_ =	shalt  }
0x70: {  	_ =	shalt  }
0x71: {  	_ =	shalt  }
0x72: {  	_ =	shalt  }
0x73: {  	_ =	shalt  }
0x74: {  	_ =	shalt  }
0x75: {  	_ =	shalt  }
0x76: {  	_ =	shalt  }
0x77: {  	_ =	shalt  }
0x78: {  	_ =	shalt  }
0x79: {  	_ =	shalt  }
0x7a: {  	_ =	shalt  }
0x7b: {  	_ =	shalt  }
0x7c: {  	_ =	shalt  }
0x7d: {  	_ =	shalt  }
0x7e: {  	_ =	shalt  }
0x7f: {  	_ =	shalt  }
0x80: {  	_ =	shalt  }
0x81: {  	_ =	shalt  }
0x82: {  	_ =	shalt  }
0x83: {  	_ =	shalt  }
0x84: {  	_ =	shalt  }
0x85: {  	_ =	shalt  }
0x86: {  	_ =	shalt  }
0x87: {  	_ =	shalt  }
.Lfunc_end0:
.L_simem_size_0:
called_computation.1_lowered:
.L_overlay_start_0:
0x88: {  	s2 =	sld [smem:$0x3FD9]  }
0x89: {  	s3 =	sld [smem:$0x3FFE];
	_ =	sdelay $0x1  }
0x8a: {  	s1 =	srdreg.scid  }
0x8b: {  	s0 =	sand.u32 $0x1, s1  }
0x8c: {  	s16 =	sshll.u32 s0, $0xA;
	s2 =	sadd.s32 s3, s2  }
0x8d: {  	s2 =	sadd.s32 s2, s16  }
0x8e: {  	[smem:$0x3FC5] =	sst s2  }
0x8f: {  	_ = 	snop  }
0x90: {  	(tm) =	ssettm $0x1  }
0x91: {  	s17 =	sld [smem:$0x3FFB];
	_ =	sdelay $0x3  }
0x92: {  	_ =	strace s17  }
0x93: {  	s2 =	sld [smem:$0x3FFC];
	_ =	sdelay $0x3  }
0x94: {  	_ =	strace s2  }
0x95: {  	s2 =	sld [smem:$0x3FFD];
	_ =	sdelay $0x3  }
0x96: {  	_ =	strace s2  }
0x97: {  	_ =	strace $0x8FFFFFFF  }
0x98: {  	s18 =	sld [smem:$0x3FDB];
	_ =	sdelay $0x1  }
0x99: {  	s19 =	simm.s32 $_scs_section_size  }
0x9a: {  	s4 =	simm.s32 $_size__tile_overlayer_lowered;
	s5 =	simm.s32 $_tile_overlayer_lowered  }
0x9b: {  	s22 =	simm.s32 $0x1BFF;
	s21 =	sshll.u32 s5, $0x1;
	s2 =	sadd.s32 s19, s18  }
0x9c: {  	s6 =	simm.s32 $0x0;
	s20 =	sshll.u32 s4, $0x1;
	s4 =	sadd.s32 s21, s2  }
0x9d: {  	[timem:s6], [sflag:s22] =	dma.local [hbm:s4], s20  }
0x9e: {  	_ =	swait.ge [sflag:s22], s20  }
0x9f: {  	s3 =	ssub.s32 $0x0, s20;
	[sflag:s22] =	ssyncset.done $0x0  }
0xa0: {  	[sflag:s22] =	ssyncadd.s32 s3;
	_ =	sdelay $0x1  }
0xa1: {  	s23 =	simm.s32 $0x1B8B  }
0xa2: {  	_ =	swait.ge [sflag:s23], $0x1  }
0xa3: {  	[sflag:s23] =	ssyncset.done $0x0  }
0xa4: {  	s25 =	simm.s32 $0x1B8E;
	s24 =	sld [smem:$0x3FFE];
	[sflag:s23] =	ssyncadd.s32 $0xFFFFFFFF  }
0xa5: {  	s26 =	simm.s32 $execute0_lowered;
	[smem:$0x3FD2] =	sst s25  }
0xa6: {  	s4 =	sshll.u32 s26, $0x1;
	_ =	strace $0x80000049;
	[dreg:$0x1] =	wrdreg $0xFFFFFFFF  }
0xa7: {  	s28 =	simm.s32 $_size_execute0_lowered;
	s2 =	sadd.s32 s2, s4;
	[dreg:$0x0] =	wrdreg $0x0  }
0xa8: {  	s4 =	sshll.u32 s28, $0x1;
	[dreg:$0x2] =	wrdreg s2  }
0xa9: {  	[dreg:$0x3] =	wrdreg s4  }
0xaa: {  	[dreg:$0x4] =	wrdreg $0xC0  }
0xab: {  	_ =	task [dreg:s6], $0x5FFFF  }
0xac: {  	[dreg:$0x1] =	wrdreg $0xFFFFFFFF  }
0xad: {  	[dreg:$0x0] =	wrdreg $0x60  }
0xae: {  	[dreg:$0x2] =	wrdreg s24  }
0xaf: {  	[dreg:$0x3] =	wrdreg $0x9  }
0xb0: {  	_ =	task.clear_ibuf [dreg:s6], $0x4FFFF;
	_ =	strace $0x90000049  }
0xb1: {  	s29 =	simm.s32 $0x9;
	_ =	strace $0x8000004B  }
0xb2: {  	_ =	swait.ge [sflag:s29], $0x1  }
0xb3: {  	[sflag:s29] =	ssyncadd.s32 $0xFFFFFFFF  }
0xb4: {  	_ =	strace $0x9000004B  }
0xb5: {  	_ =	sfence  }
0xb6: {  	s30 =	sld [smem:$0x0];
	_ =	sdelay $0x2  }
0xb7: {  	s31 =	sshll.u32 s1, $0xD;
	s1 =	sshrl.u32 s1, $0x2  }
0xb8: {  	s3 =	sand.u32 $0x4000, s31;
	s1 =	sadd.s32 s1, s30  }
0xb9: {  	s0 =	sor.u32 s3, s0;
	s1 =	sshll.u32 s1, $0x11  }
0xba: {  	s0 =	sor.u32 s1, s0  }
0xbb: {  	s0 =	sadd.s32 $0x8F2B, s0  }
0xbc: {  	[sflag:s0] =	ssyncadd.remote.s32 $0x1  }
0xbd: {  	_ =	sfence.sel $0xFFFF  }
0xbe: {  	[dreg:$0x0] =	wrdreg $0xFFFFFFFF;
	(pc) =	sbr.abs _section_cstart, $3  }
0xbf: {  	[dreg:$0x1] =	wrdreg $0xFFFFFFFF  }
0xc0: {  	_ =	task.clear_ibuf [dreg:s6], $0x2FFFF;
	_ =	strace $0x9FFFFFFF  }
0xc1: {  	(tm) =	ssettm $0x7FFFFFFF  }
tec
execute0_lowered:
.L_overlay_start_1:
0x0: {  	(tag) =	ssettag $0x1  }
0x1: {  	s0 =	srdreg.scid  }
0x2: {  	s1 =	stileid.u32;
	s6 =	rddreg [dreg:$0x0]  }
0x3: {  	s2 =	simm.s32 $0x0;
	s11 =	simm.s32 $0x2580;
	s13 =	simm.s32 $0x1  }
0x4: {  	s14 =	simm.s32 $0x50;
	s16 =	simm.s32 $0xC80;
	s23 =	simm.s32 $0xAA0  }
0x5: {  	s24 =	simm.s32 $0x1680;
	s25 =	simm.s32 $0xAF0;
	s28 =	simm.s32 $0xB40  }
0x6: {  	s29 =	simm.s32 $0x1B80;
	s30 =	simm.s32 $0xB90;
	s31 =	simm.s32 $0x1E00  }
0x7: {  	s10 =	simm.s32 $0xC30;
	s12 =	simm.s32 $0x2300;
	s15 =	simm.s32 $0x2968  }
0x8: {  	s17 =	simm.s32 $0x2;
	s18 =	simm.s32 $0x0;
	s0 =	sand.u32 $0x1, s0  }
0x9: {  	s1 =	sshll.u32 s1, $0x1;
	[smem:$0x7FF] =	sst s2;
	s3 =	sadd.s32 $0x1E00, s6  }
0xa: {  	s5 =	sadd.s32 $0xE00, s6;
	s1 =	sor.u32 s0, s1;
	s0 =	ssub.s32 $0x2, s0  }
0xb: {  	s4 =	smul.u32 $0x64, s1;
	s1 =	sshll.u32 s1, $0x1;
	s26 =	sshrl.u32 s0, $0x1  }
0xc: {  	_ =	strace $0x8000004A;
	s1 =	sadd.s32 s1, s6;
	s0 =	ssub.s32 s0, s26  }
0xd: {  	s26 =	simm.s32 $0x1900;
	s7 =	sadd.s32 s4, s6;
	s4 =	sadd.s32 $0x20800, s6  }
0xe: {  	s8 =	sadd.s32 $0x21800, s1;
	s9 =	smax.u32 s0, $0x1;
	s1 =	simm.s32 $0xBE0  }
0xf: {  	s0 =	simm.s32 $0x2080;
	s6 =	sadd.s32 $0x1000, s7;
	s7 =	sadd.s32 $0x20A00, s7  }
.LBB2_1:
0x10: {  	[tilespmem:s2], [sflag:$0x1] =	stream.linear.gather [hbm4b:s6+s2], $0x320, $0x38;
	[tilespmem:$0x2978] =	vst v63  }
0x11: {  	s19 =	simm.s32 $0x320  }
0x12: {  	[tilespmem:s19], [sflag:$0x1] =	stream.linear.gather [hbm4b:s7+s2], $0x320, $0x38;
	[tilespmem:$0x2978] =	vst v63  }
0x13: {  	_ = 	snop  }
0x14: {  	[tilespmem:s11], [sflag:$0x1] =	stream.linear.gather [hbm4b:s4+s2], $0x3E8, $0x38;
	[tilespmem:$0x2978] =	vst v63  }
0x15: {  	s21 =	simm.s32 $0x640  }
0x16: {  	[tilespmem:s21], [sflag:$0x1] =	stream.linear.gather [hbm4b:s5+s2], $0x320, $0x38;
	[tilespmem:$0x2978] =	vst v63  }
0x17: {  	_ =	swait.ge [sflag:s13], $0x320  }
0x18: {  	[sflag:s13] =	ssyncset.done $0x0  }
0x19: {  	[sflag:s13] =	ssyncadd.s32 $0xFFFFFCE0  }
0x1a: {  	_ =	swait.ge [sflag:s13], $0x320  }
0x1b: {  	[sflag:s13] =	ssyncset.done $0x0  }
0x1c: {  	[sflag:s13] =	ssyncadd.s32 $0xFFFFFCE0  }
0x1d: {  	_ =	swait.ge [sflag:s13], $0x3E8  }
0x1e: {  	[sflag:s13] =	ssyncset.done $0x0  }
0x1f: {  	[sflag:s13] =	ssyncadd.s32 $0xFFFFFC18  }
0x20: {  	_ =	swait.ge [sflag:s13], $0x320  }
0x21: {  	[sflag:s13] =	ssyncset.done $0x0  }
0x22: {  	s22 =	simm.s32 $0x20;
	[sflag:s13] =	ssyncadd.s32 $0xFFFFFCE0  }
0x23: {  	s20 =	simm.s32 $0x340;
	v2 =	vld [tilespmem:s22+$0x10]  }
0x24: {  	v4 =	vld [tilespmem:s20+$0x10]  }
0x25: {  	v5 =	vld [tilespmem:s22+$0xFFFFFFF0]  }
0x26: {  	v0 =	vld [tilespmem:s22+$0x0]  }
0x27: {  	v1 =	vld [tilespmem:s22+$0xFFFFFFE0]  }
0x28: {  	v3 =	vld [tilespmem:s20+$0xFFFFFFE0];
	v6 =	vmul.u32 $0x7D, v2  }
0x29: {  	v2 =	vld [tilespmem:s20+$0xFFFFFFF0];
	v7 =	vshrl.u32 v4, $0x3  }
0x2a: {  	s19 =	simm.s32 $0x980;
	s21 =	simm.s32 $0x0;
	s22 =	simm.s32 $0x60;
	v4 =	vmul.u32 $0x7D, v5;
	v5 =	vld [tilespmem:s20+$0x0];
	v6 =	vadd.s32 v6, v7  }
.LBB2_2:
0x2b: {  	v7 =	vld [tilespmem:s22+$0x10];
	s21 =	sadd.s32 $0x4, s21;
	v8 =	vmul.u32 $0x7D, v0;
	[tilespmem:s19+$0x10] =	vst v6;
	s20 =	sadd.s32 $0x40, s20  }
0x2c: {  	v6 =	vld [tilespmem:s20+$0x10];
	p0 =	slt.u32 s21, $0x2C;
	v1 =	vmul.u32 $0x7D, v1  }
0x2d: {  	v9 =	vld [tilespmem:s22+$0xFFFFFFF0];
	v3 =	vshrl.u32 v3, $0x3  }
.Ltmp0:
0x2e: {  	v0 =	vld [tilespmem:s22+$0x0];
	v3 =	vadd.s32 v1, v3;
	v2 =	vshrl.u32 v2, $0x3;
	(pc) =	sbr.rel @p0 .LBB2_2-.Ltmp0, $4  }
0x2f: {  	v1 =	vld [tilespmem:s22+$0xFFFFFFE0];
	[tilespmem:s19+$0xFFFFFFE0] =	vst v3;
	v2 =	vadd.s32 v4, v2;
	v4 =	vshrl.u32 v5, $0x3  }
0x30: {  	v3 =	vld [tilespmem:s20+$0xFFFFFFE0];
	v7 =	vmul.u32 $0x7D, v7;
	[tilespmem:s19+$0xFFFFFFF0] =	vst v2;
	v4 =	vadd.s32 v8, v4  }
0x31: {  	v2 =	vld [tilespmem:s20+$0xFFFFFFF0];
	v6 =	vshrl.u32 v6, $0x3;
	[tilespmem:s19+$0x0] =	vst v4  }
0x32: {  	s22 =	sadd.s32 $0x40, s22;
	s19 =	sadd.s32 $0x40, s19;
	v4 =	vmul.u32 $0x7D, v9;
	v5 =	vld [tilespmem:s20+$0x0];
	v6 =	vadd.s32 v7, v6  }
0x33: {  	_ = 	snop  }
0x34: {  	v1 =	vmul.u32 $0x7D, v1  }
0x35: {  	v3 =	vshrl.u32 v3, $0x3  }
0x36: {  	v0 =	vmul.u32 $0x7D, v0;
	[tilespmem:s19+$0x10] =	vst v6;
	v1 =	vadd.s32 v1, v3;
	v2 =	vshrl.u32 v2, $0x3  }
0x37: {  	[tilespmem:s19+$0xFFFFFFE0] =	vst v1;
	v62 =	vadd.s32 v4, v2;
	v63 =	vshrl.u32 v5, $0x3  }
0x38: {  	[tilespmem:s19+$0xFFFFFFF0] =	vst v62;
	v0 =	vadd.s32 v0, v63  }
0x39: {  	s20 =	simm.s32 $0x0;
	[tilespmem:s19+$0x0] =	vst v0  }
.LBB2_4:
0x3a: {  	s19 =	sshra.s32 s20, $0x2  }
0x3b: {  	v0 =	vld [tilespmem:s19+$0x300]  }
0x3c: {  	v1 =	vld [tilespmem:s19+$0x620];
	_ =	sdelay $0x1  }
0x3d: {  	p0 =	sne.s32 s20, $0x40  }
.Ltmp1:
0x3e: {  	_ = 	snop;
	(pc) =	sbr.rel @p0 .LBB2_4-.Ltmp1, $4  }
0x3f: {  	v0 =	vmul.u32 $0x7D, v0  }
0x40: {  	v1 =	vshrl.u32 v1, $0x3  }
0x41: {  	v0 =	vadd.s32 v0, v1  }
0x42: {  	s20 =	sadd.s32 $0x40, s20;
	[tilespmem:s19+$0xC60] =	vst v0  }
0x43: {  	s19 =	simm.s32 $0x960  }
0x44: {  	[tilespmem:s16], [sflag:$0x1] =	stream.indirect.gather [hbm4b:s3+s14], $0x8, s19, s14, $0xb8;
	[tilespmem:$0x2978] =	vst v63  }
0x45: {  	s22 =	simm.s32 $0x9B0;
	s20 =	simm.s32 $0xF00  }
0x46: {  	[tilespmem:s20], [sflag:$0x1] =	stream.indirect.gather [hbm4b:s3+s14], $0x8, s22, s14, $0xb8;
	[tilespmem:$0x2978] =	vst v63  }
0x47: {  	s21 =	simm.s32 $0xA00;
	s22 =	simm.s32 $0x1180  }
0x48: {  	[tilespmem:s22], [sflag:$0x1] =	stream.indirect.gather [hbm4b:s3+s14], $0x8, s21, s14, $0xb8;
	[tilespmem:$0x2978] =	vst v63  }
0x49: {  	s21 =	simm.s32 $0xA50;
	s22 =	simm.s32 $0x1400  }
0x4a: {  	[tilespmem:s22], [sflag:$0x1] =	stream.indirect.gather [hbm4b:s3+s14], $0x8, s21, s14, $0xb8;
	[tilespmem:$0x2978] =	vst v63  }
0x4b: {  	_ = 	snop  }
0x4c: {  	[tilespmem:s24], [sflag:$0x1] =	stream.indirect.gather [hbm4b:s3+s14], $0x8, s23, s14, $0xb8;
	[tilespmem:$0x2978] =	vst v63  }
0x4d: {  	_ = 	snop  }
0x4e: {  	[tilespmem:s26], [sflag:$0x1] =	stream.indirect.gather [hbm4b:s3+s14], $0x8, s25, s14, $0xb8;
	[tilespmem:$0x2978] =	vst v63  }
0x4f: {  	_ = 	snop  }
0x50: {  	[tilespmem:s29], [sflag:$0x1] =	stream.indirect.gather [hbm4b:s3+s14], $0x8, s28, s14, $0xb8;
	[tilespmem:$0x2978] =	vst v63  }
0x51: {  	_ = 	snop  }
0x52: {  	[tilespmem:s31], [sflag:$0x1] =	stream.indirect.gather [hbm4b:s3+s14], $0x8, s30, s14, $0xb8;
	[tilespmem:$0x2978] =	vst v63  }
0x53: {  	_ = 	snop  }
0x54: {  	[tilespmem:s0], [sflag:$0x1] =	stream.indirect.gather [hbm4b:s3+s14], $0x8, s1, s14, $0xb8;
	[tilespmem:$0x2978] =	vst v63  }
0x55: {  	_ = 	snop  }
0x56: {  	[tilespmem:s12], [sflag:$0x1] =	stream.indirect.gather [hbm4b:s3+s14], $0x8, s10, s14, $0xb8;
	[tilespmem:$0x2978] =	vst v63  }
0x57: {  	_ =	swait.ge [sflag:s13], $0x280  }
0x58: {  	[sflag:s13] =	ssyncset.done $0x0  }
0x59: {  	[sflag:s13] =	ssyncadd.s32 $0xFFFFFD80  }
0x5a: {  	_ =	swait.ge [sflag:s13], $0x280  }
0x5b: {  	[sflag:s13] =	ssyncset.done $0x0  }
0x5c: {  	[sflag:s13] =	ssyncadd.s32 $0xFFFFFD80  }
0x5d: {  	_ =	swait.ge [sflag:s13], $0x280  }
0x5e: {  	[sflag:s13] =	ssyncset.done $0x0  }
0x5f: {  	[sflag:s13] =	ssyncadd.s32 $0xFFFFFD80  }
0x60: {  	_ =	swait.ge [sflag:s13], $0x280  }
0x61: {  	[sflag:s13] =	ssyncset.done $0x0  }
0x62: {  	[sflag:s13] =	ssyncadd.s32 $0xFFFFFD80  }
0x63: {  	_ =	swait.ge [sflag:s13], $0x280  }
0x64: {  	[sflag:s13] =	ssyncset.done $0x0  }
0x65: {  	[sflag:s13] =	ssyncadd.s32 $0xFFFFFD80  }
0x66: {  	_ =	swait.ge [sflag:s13], $0x280  }
0x67: {  	[sflag:s13] =	ssyncset.done $0x0  }
0x68: {  	[sflag:s13] =	ssyncadd.s32 $0xFFFFFD80  }
0x69: {  	_ =	swait.ge [sflag:s13], $0x280  }
0x6a: {  	[sflag:s13] =	ssyncset.done $0x0  }
0x6b: {  	[sflag:s13] =	ssyncadd.s32 $0xFFFFFD80  }
0x6c: {  	_ =	swait.ge [sflag:s13], $0x280  }
0x6d: {  	[sflag:s13] =	ssyncset.done $0x0  }
0x6e: {  	[sflag:s13] =	ssyncadd.s32 $0xFFFFFD80  }
0x6f: {  	_ =	swait.ge [sflag:s13], $0x280  }
0x70: {  	[sflag:s13] =	ssyncset.done $0x0  }
0x71: {  	[sflag:s13] =	ssyncadd.s32 $0xFFFFFD80  }
0x72: {  	_ =	swait.ge [sflag:s13], $0x280  }
0x73: {  	[sflag:s13] =	ssyncset.done $0x0  }
0x74: {  	s22 =	simm.s32 $0x20;
	[sflag:s13] =	ssyncadd.s32 $0xFFFFFD80  }
0x75: {  	v0 =	vld [tilespmem:s22+$0x0]  }
0x76: {  	v1 =	vld [tilespmem:s22+$0xFFFFFFF0]  }
0x77: {  	s19 =	simm.s32 $0x340;
	v3 =	vld [tilespmem:s22+$0xFFFFFFE0]  }
0x78: {  	s20 =	simm.s32 $0x660;
	v4 =	vld [tilespmem:s19+$0xFFFFFFE0]  }
0x79: {  	v8 =	vld [tilespmem:s20+$0xFFFFFFE0]  }
0x7a: {  	v10 =	vld [tilespmem:s19+$0xFFFFFFF0]  }
0x7b: {  	v11 =	vld [tilespmem:s20+$0xFFFFFFF0]  }
0x7c: {  	v6 =	vld [tilespmem:s19+$0x0]  }
0x7d: {  	v7 =	vld [tilespmem:s20+$0x0]  }
0x7e: {  	v5 =	vld [tilespmem:s19+$0x10];
	v4 =	vand.u32 $0x7, v4;
	v9 =	vshll.u32 v8, $0x3  }
0x7f: {  	v8 =	vld [tilespmem:s20+$0x10];
	v9 =	vor.u32 v4, v9  }
0x80: {  	v2 =	vimm.f32 $0.0e+00;
	s21 =	simm.s32 $0x0;
	v10 =	vand.u32 $0x7, v10;
	v11 =	vshll.u32 v11, $0x3;
	v4 =	vld [tilespmem:s22+$0x10];
	s22 =	simm.s32 $0x60  }
.LBB2_6:
0x81: {  	v12 =	vld [tilespmem:s22+$0x0];
	v10 =	vor.u32 v10, v11  }
0x82: {  	v6 =	vand.u32 $0x7, v6;
	v11 =	vld [tilespmem:s22+$0xFFFFFFF0];
	v7 =	vshll.u32 v7, $0x3  }
0x83: {  	v3 =	vld.idx.msk [tilespmem:v3+s11+$0x0], $0xffff;
	v6 =	vor.u32 v6, v7  }
0x84: {  	v5 =	vand.u32 $0x7, v5;
	v7 =	vld.idx.msk [tilespmem:v9+s16+$0x0], $0xffff;
	v8 =	vshll.u32 v8, $0x3  }
0x85: {  	v9 =	vld.idx.msk [tilespmem:v1+s11+$0x0], $0xffff;
	v5 =	vor.u32 v5, v8  }
0x86: {  	v8 =	vld.idx.msk [tilespmem:v10+s16+$0x0], $0xffff  }
0x87: {  	v10 =	vld.idx.msk [tilespmem:v0+s11+$0x0], $0xffff;
	v0 =	vmov v12;
	v1 =	vmov v11  }
0x88: {  	v6 =	vld.idx.msk [tilespmem:v6+s16+$0x0], $0xffff  }
0x89: {  	v4 =	vld.idx.msk [tilespmem:v4+s11+$0x0], $0xffff  }
0x8a: {  	v7 =	vsub.f32 v3, v7;
	v5 =	vld.idx.msk [tilespmem:v5+s16+$0x0], $0xffff  }
0x8b: {  	s19 =	sadd.s32 $0x40, s19;
	v3 =	vld [tilespmem:s22+$0xFFFFFFE0]  }
0x8c: {  	s20 =	sadd.s32 $0x40, s20;
	v2 =	vadd.f32 v7, v2;
	v7 =	vsub.f32 v9, v8;
	v11 =	vld [tilespmem:s19+$0xFFFFFFE0]  }
0x8d: {  	s21 =	sadd.s32 $0x4, s21;
	v8 =	vld [tilespmem:s20+$0xFFFFFFE0]  }
0x8e: {  	p0 =	slt.u32 s21, $0x2C;
	v2 =	vadd.f32 v7, v2;
	v7 =	vsub.f32 v10, v6;
	v12 =	vld [tilespmem:s19+$0xFFFFFFF0]  }
0x8f: {  	v13 =	vld [tilespmem:s20+$0xFFFFFFF0]  }
.Ltmp2:
0x90: {  	v2 =	vadd.f32 v7, v2;
	v4 =	vsub.f32 v4, v5;
	v6 =	vld [tilespmem:s19+$0x0];
	(pc) =	sbr.rel @p0 .LBB2_6-.Ltmp2, $4  }
0x91: {  	v7 =	vld [tilespmem:s20+$0x0]  }
0x92: {  	v9 =	vand.u32 $0x7, v11;
	v2 =	vadd.f32 v4, v2;
	v8 =	vshll.u32 v8, $0x3;
	v5 =	vld [tilespmem:s19+$0x10]  }
0x93: {  	v9 =	vor.u32 v9, v8;
	v8 =	vld [tilespmem:s20+$0x10]  }
0x94: {  	v10 =	vand.u32 $0x7, v12;
	v11 =	vshll.u32 v13, $0x3;
	v4 =	vld [tilespmem:s22+$0x10];
	s22 =	sadd.s32 $0x40, s22  }
0x95: {  	_ =	sdelay $0x1  }
0x96: {  	v10 =	vor.u32 v10, v11  }
0x97: {  	v6 =	vand.u32 $0x7, v6;
	v7 =	vshll.u32 v7, $0x3  }
0x98: {  	v3 =	vld.idx.msk [tilespmem:v3+s11+$0x0], $0xffff;
	v6 =	vor.u32 v6, v7  }
0x99: {  	v62 =	vld.idx.msk [tilespmem:v9+s16+$0x0], $0xffff;
	v5 =	vand.u32 $0x7, v5;
	v8 =	vshll.u32 v8, $0x3  }
0x9a: {  	v1 =	vld.idx.msk [tilespmem:v1+s11+$0x0], $0xffff;
	v5 =	vor.u32 v5, v8  }
0x9b: {  	v63 =	vld.idx.msk [tilespmem:v10+s16+$0x0], $0xffff  }
0x9c: {  	v0 =	vld.idx.msk [tilespmem:v0+s11+$0x0], $0xffff  }
0x9d: {  	v6 =	vld.idx.msk [tilespmem:v6+s16+$0x0], $0xffff  }
0x9e: {  	v4 =	vld.idx.msk [tilespmem:v4+s11+$0x0], $0xffff;
	v3 =	vsub.f32 v3, v62  }
0x9f: {  	v5 =	vld.idx.msk [tilespmem:v5+s16+$0x0], $0xffff  }
0xa0: {  	v2 =	vadd.f32 v3, v2;
	v1 =	vsub.f32 v1, v63;
	_ =	sdelay $0x1  }
0xa1: {  	v1 =	vadd.f32 v1, v2;
	v0 =	vsub.f32 v0, v6;
	_ =	sdelay $0x1  }
0xa2: {  	v0 =	vadd.f32 v0, v1;
	v1 =	vsub.f32 v4, v5;
	_ =	sdelay $0x1  }
0xa3: {  	s19 =	simm.s32 $0x0;
	v0 =	vadd.f32 v1, v0  }
.LBB2_8:
0xa4: {  	s20 =	sshra.s32 s19, $0x2  }
0xa5: {  	v1 =	vld [tilespmem:s20+$0x620]  }
0xa6: {  	v2 =	vld [tilespmem:s20+$0x940];
	_ =	sdelay $0x1  }
0xa7: {  	v3 =	vld [tilespmem:s20+$0x300];
	_ =	sdelay $0x2  }
0xa8: {  	v1 =	vand.u32 $0x7, v1;
	v2 =	vshll.u32 v2, $0x3  }
0xa9: {  	v1 =	vor.u32 v1, v2;
	_ =	sdelay $0x3  }
0xaa: {  	v2 =	vld.idx.msk [tilespmem:v3+s11+$0x0], $0xffff  }
0xab: {  	v1 =	vld.idx.msk [tilespmem:v1+s16+$0x0], $0xffff;
	_ =	sdelay $0x1  }
0xac: {  	p0 =	sne.s32 s19, $0x40  }
.Ltmp3:
0xad: {  	_ = 	snop;
	(pc) =	sbr.rel @p0 .LBB2_8-.Ltmp3, $3  }
0xae: {  	_ = 	snop  }
0xaf: {  	v1 =	vsub.f32 v2, v1;
	_ =	sdelay $0x1  }
0xb0: {  	s19 =	sadd.s32 $0x40, s19;
	v0 =	vadd.f32 v1, v0  }
0xb1: {  	s18 =	sadd.s32 $0x1, s18  }
0xb2: {  	p0 =	sne.s32 s18, s9  }
.Ltmp4:
0xb3: {  	[tilespmem:$0x2968] =	vst v0;
	(pc) =	sbr.rel @p0 .LBB2_1-.Ltmp4, $4  }
0xb4: {  	[hbm4b:s8+s2] =	stream.linear.scatter [tilespmem:s15], [sflag:$0x2], $0x10, $0x38;
	[tilespmem:$0x2978] =	vst v63  }
0xb5: {  	_ =	swait.ge [sflag:s17], $0x10  }
0xb6: {  	[sflag:s17] =	ssyncset.done $0x0  }
0xb7: {  	[sflag:s17] =	ssyncadd.s32 $0xFFFFFFF0  }
0xb8: {  	_ =	sfence.sel $0x180000  }
0xb9: {  	[bflag:$0x0] =	sbarrier.arrive $0xFFFF  }
0xba: {  	_ =	strace $0x9000004A  }
0xbb: {  	s0 =	stileid.u32;
	[bflag:$0x2] =	sbarrier.arrive $0xFFFF  }
0xbc: {  	p0 =	sne.s32 s0, $0x0;
	s0 =	rddreg [dreg:$0x1]  }
0xbd: {  	s0 =	sadd.s32 @!p0 $0x100000, s0  }
0xbe: {  	[sflag:s0] =	ssyncadd.tile.s32 @!p0 $0x1;
	_ =	shalt  }
.Lfunc_end2:
_tile_overlayer_lowered:
.L_overlay_start_2:
0xbf: {  	(tag) =	ssettag $0x2  }
0xc0: {  	s0 =	rddreg [dreg:$0x0];
	s2 =	stileid.u32  }
0xc1: {  	s1 =	rddreg [dreg:$0x1];
	p0 =	sne.s32 s2, $0x0  }
0xc2: {  	s3 =	rddreg [dreg:$0x2];
	[bflag:$0x3] =	sbarrier.arrive $0xFFFF;
	s2 =	simm.s32 @!p0 $0x1C02  }
0xc3: {  	[timem:s3], [sflag:s2] =	dma.local @!p0 [hbm:s0], s1  }
0xc4: {  	s0 =	simm.s32 @!p0 $0x2  }
0xc5: {  	_ =	swait.ge @!p0 [sflag:s0], s1  }
0xc6: {  	s1 =	ssub.s32 @!p0 $0x0, s1;
	[sflag:s0] =	ssyncset.done @!p0 $0x0  }
0xc7: {  	[sflag:s0] =	ssyncadd.s32 @!p0 s1  }
0xc8: {  	[bflag:$0x3] =	sbarrier.arrive $0xFFFF  }
0xc9: {  	_ =	shalt  }

</sc_bundles>
